<compile_context>
chip_gen: v7x
topology: tpu7x:2x2x1
jax: 0.10.2.dev20260603
libtpu: 0.0.44.dev20260713+nightly
codegen_flags: <defaults>
</compile_context>

<pallas_src>
import functools

import jax
import jax.numpy as jnp
from jax import lax
from jax.experimental import pallas as pl
from jax.experimental.pallas import tpu as pltpu
from jax.experimental.pallas import tpu_sc as plsc


def _sc_gather(mem, read_idx):
    B = read_idx.shape[0]
    M, D = mem.shape
    info = plsc.get_sparse_core_info()
    NC, NS = info.num_cores, info.num_subcores
    NW = NC * NS
    b_per_w = B // NW
    K = 16
    mesh = plsc.VectorSubcoreMesh(core_axis_name="c", subcore_axis_name="s")

    @functools.partial(
        pl.kernel,
        mesh=mesh,
        out_type=jax.ShapeDtypeStruct((B, 2 * D), jnp.float32),
        scratch_types=[
            pltpu.VMEM((b_per_w,), jnp.int32),
            pltpu.VMEM((b_per_w, 2 * D), jnp.float32),
            pltpu.SemaphoreType.DMA,
        ],
        compiler_params=pltpu.CompilerParams(needs_layout_passes=False),
    )
    def gather_kernel(read_hbm, table_hbm, out_hbm, idx_v, out_v, sem):
        wid = lax.axis_index("s") * NC + lax.axis_index("c")
        base = wid * b_per_w
        pltpu.sync_copy(read_hbm.at[pl.ds(base, b_per_w)], idx_v)

        n_groups = b_per_w // K
        LOOKAHEAD = 2

        def start_group(g):
            keys = idx_v[pl.ds(g * K, K)]
            for u in range(K):
                pltpu.make_async_copy(
                    table_hbm.at[keys[u]],
                    out_v.at[g * K + u, pl.ds(0, D)], sem).start()

        for g in range(LOOKAHEAD):
            start_group(g)

        def group(g, carry):
            @pl.when(g + LOOKAHEAD < n_groups)
            def _():
                start_group(g + LOOKAHEAD)

            for _u in range(K):
                pltpu.make_async_copy(
                    table_hbm.at[0], out_v.at[0, pl.ds(0, D)], sem).wait()
            return carry

        lax.fori_loop(0, n_groups, group, 0)
        pltpu.sync_copy(out_v, out_hbm.at[pl.ds(base, b_per_w)])

    return gather_kernel(read_idx, mem)


def _tc_correction(gathered2, idx, val, read_idx):
    B, D = val.shape
    BM, BK = 2048, 4096
    grid = (B // BM, B // BK)

    def body(r_ref, c_ref, v_ref, g_ref, o_ref):
        j = pl.program_id(1)
        r_col = r_ref[...].reshape(BM, 1)
        mask = (r_col == c_ref[...]).astype(jnp.bfloat16)
        part = jnp.dot(mask, v_ref[...], preferred_element_type=jnp.float32)

        @pl.when(j == 0)
        def _():
            o_ref[...] = g_ref[:, :D] + part

        @pl.when(j > 0)
        def _():
            o_ref[...] += part

    return pl.pallas_call(
        body,
        grid=grid,
        in_specs=[
            pl.BlockSpec((1, BM), lambda i, j: (0, i)),
            pl.BlockSpec((1, BK), lambda i, j: (0, j)),
            pl.BlockSpec((BK, D), lambda i, j: (j, 0)),
            pl.BlockSpec((BM, 2 * D), lambda i, j: (i, 0)),
        ],
        out_specs=pl.BlockSpec((BM, D), lambda i, j: (i, 0)),
        out_shape=jax.ShapeDtypeStruct((B, D), jnp.float32),
        compiler_params=pltpu.CompilerParams(
            dimension_semantics=("parallel", "arbitrary"),
        ),
    )(read_idx.astype(jnp.float32).reshape(1, B),
      idx.astype(jnp.float32).reshape(1, B),
      val.astype(jnp.bfloat16), gathered2)


def kernel(mem, idx, val, read_idx):
    gathered2 = _sc_gather(mem, read_idx)
    return _tc_correction(gathered2, idx, val, read_idx)

# --- scband reference (transcript-rebuilt; emitter-appended) ---
"""Pipeline reference for scband-teleport-attention-1975684956488 (READ-ONLY COPY).

The authoritative reference and input builder live on the scoring server;
editing this copy changes nothing except your own understanding.
"""

import jax, jax.numpy as jnp
import numpy as np

M = 1000000
D = 64
B = 16384

def setup_inputs(seed: int = 0) -> dict:
    key = jax.random.key(seed)
    k1, k2, k3, k4 = jax.random.split(key, 4)
    mem = jax.random.normal(k1, (M, D), dtype=jnp.float32)
    val = jax.random.normal(k2, (B, D), dtype=jnp.float32)
    idx = jax.random.randint(k3, (B,), 0, M, dtype=jnp.int32)
    read_idx = jax.random.randint(k4, (B,), 0, M, dtype=jnp.int32)
    return {"mem": mem, "idx": idx, "val": val, "read_idx": read_idx}

def reference(mem, idx, val, read_idx):
    # Teleport write: scatter-accumulate new KV/value tokens into the long-term memory slab
    # (duplicate indices accumulate, matching a differentiable scatter-add memory update).
    new_mem = mem.at[idx].add(val)
    # Teleport read: gather the rows addressed by read_idx (anchor fetch).
    out = jnp.take(new_mem, read_idx, axis=0)
    return out

if __name__ == "__main__":
    import jax
    _d = setup_inputs()
    print(jax.jit(kernel)(*tuple(_d.values())))

</pallas_src>

<mosaic_0001>
#map = affine_map<(d0, d1) -> (0)>
#map1 = affine_map<(d0, d1) -> (0, 0)>
module attributes {stable_mosaic.version = 14 : i64} {
  func.func @gather_kernel(%arg0: i32, %arg1: i32, %arg2: memref<16384xi32, #tpu.memory_space<hbm>>, %arg3: memref<1000000x64xf32, #tpu.memory_space<hbm>>, %arg4: memref<16384x128xf32, #tpu.memory_space<hbm>>, %arg5: memref<512xi32, #tpu.memory_space<vmem>>, %arg6: memref<512x128xf32, #tpu.memory_space<vmem>>, %arg7: memref<!tpu.dma_semaphore, #tpu.memory_space<semaphore_mem>>) attributes {dimension_semantics = [#tpu.dimension_semantics<core_parallel>, #tpu.dimension_semantics<subcore_parallel>], iteration_bounds = array<i64: 2, 16>, scalar_prefetch = 0 : i64, scratch_operands = 3 : i64, tpu.core_type = #tpu.core_type<sc_vector_subcore>, window_params = [{transform_indices = #map}, {transform_indices = #map1}, {transform_indices = #map1}]} {
    %mul3A = arith.constant 2 : i32
    %mul3A_0 = arith.muli %arg1, %mul3A : i32
    %add3A = arith.addi %mul3A_0, %arg0 : i32
    %mul3A_1 = arith.constant 512 : i32
    %mul3A_2 = arith.muli %add3A, %mul3A_1 : i32
    "tpu.region"() ({
      %run_scoped3A = tpu.sem_alloc : memref<!tpu.dma_semaphore, #tpu.memory_space<semaphore_mem>>
      %dma_start3A_488 = tpu.memref_slice %arg2[%mul3A_2] : memref<16384xi32, #tpu.memory_space<hbm>> -> memref<512xi32, #tpu.memory_space<hbm>>
      %dma_start3A_489 = tpu.memref_slice %arg2[%mul3A_2] : memref<16384xi32, #tpu.memory_space<hbm>> -> memref<512xi32, #tpu.memory_space<hbm>>
      tpu.enqueue_dma source(%dma_start3A_489 : memref<512xi32, #tpu.memory_space<hbm>>) target(%arg5 : memref<512xi32, #tpu.memory_space<vmem>>) target_semaphore(%run_scoped3A : memref<!tpu.dma_semaphore, #tpu.memory_space<semaphore_mem>>)
      %dma_wait3A = tpu.memref_slice %arg2[%mul3A_2] : memref<16384xi32, #tpu.memory_space<hbm>> -> memref<512xi32, #tpu.memory_space<hbm>>
      %dma_wait3A_490 = tpu.memref_slice %arg2[%mul3A_2] : memref<16384xi32, #tpu.memory_space<hbm>> -> memref<512xi32, #tpu.memory_space<hbm>>
      tpu.wait_dma2 semaphore(%run_scoped3A : memref<!tpu.dma_semaphore, #tpu.memory_space<semaphore_mem>>) src(%dma_wait3A_490 : memref<512xi32, #tpu.memory_space<hbm>>) dst(%arg5 : memref<512xi32, #tpu.memory_space<vmem>>)
      tpu.yield
    }) : () -> ()
    %get3A = arith.constant 0 : index
    %get3A_3 = tpu.vector_load %arg5[%get3A] {strides = array<i32>} : memref<512xi32, #tpu.memory_space<vmem>>, vector<16xi32>,
    %slice3A = vector.extract_strided_slice %get3A_3 {offsets = [0], sizes = [1], strides = [1]} : vector<16xi32> to vector<1xi32>
    %squeeze3A = vector.extract %slice3A[0] : i32 from vector<1xi32>
    %dma_start3A = arith.constant 0 : i32
    %dma_start3A_4 = arith.constant 0 : i32
    %dma_start3A_5 = tpu.memref_slice %arg6[%dma_start3A, %dma_start3A_4] : memref<512x128xf32, #tpu.memory_space<vmem>> -> memref<1x64xf32, #tpu.memory_space<vmem>>
    %dma_start3A_6 = tpu.memref_squeeze %dma_start3A_5 : memref<1x64xf32, #tpu.memory_space<vmem>> -> memref<64xf32, #tpu.memory_space<vmem>>
    %dma_start3A_7 = arith.constant 0 : i32
    %dma_start3A_8 = tpu.memref_slice %arg3[%squeeze3A, %dma_start3A_7] : memref<1000000x64xf32, #tpu.memory_space<hbm>> -> memref<1x64xf32, #tpu.memory_space<hbm>>
    %dma_start3A_9 = tpu.memref_squeeze %dma_start3A_8 : memref<1x64xf32, #tpu.memory_space<hbm>> -> memref<64xf32, #tpu.memory_space<hbm>>
    %dma_start3A_10 = arith.constant 0 : i32
    %dma_start3A_11 = tpu.memref_slice %arg6[%dma_start3A, %dma_start3A_10] : memref<512x128xf32, #tpu.memory_space<vmem>> -> memref<1x64xf32, #tpu.memory_space<vmem>>
    %dma_start3A_12 = tpu.memref_squeeze %dma_start3A_11 : memref<1x64xf32, #tpu.memory_space<vmem>> -> memref<64xf32, #tpu.memory_space<vmem>>
    %dma_start3A_13 = arith.constant 0 : i32
    %dma_start3A_14 = tpu.memref_slice %arg3[%squeeze3A, %dma_start3A_13] : memref<1000000x64xf32, #tpu.memory_space<hbm>> -> memref<1x64xf32, #tpu.memory_space<hbm>>
    %dma_start3A_15 = tpu.memref_squeeze %dma_start3A_14 : memref<1x64xf32, #tpu.memory_space<hbm>> -> memref<64xf32, #tpu.memory_space<hbm>>
    tpu.enqueue_dma source(%dma_start3A_15 : memref<64xf32, #tpu.memory_space<hbm>>) target(%dma_start3A_12 : memref<64xf32, #tpu.memory_space<vmem>>) target_semaphore(%arg7 : memref<!tpu.dma_semaphore, #tpu.memory_space<semaphore_mem>>)
    %slice3A_16 = vector.extract_strided_slice %get3A_3 {offsets = [1], sizes = [1], strides = [1]} : vector<16xi32> to vector<1xi32>
    %squeeze3A_17 = vector.extract %slice3A_16[0] : i32 from vector<1xi32>
    %dma_start3A_18 = arith.constant 1 : i32
    %dma_start3A_19 = arith.constant 0 : i32
    %dma_start3A_20 = tpu.memref_slice %arg6[%dma_start3A_18, %dma_start3A_19] : memref<512x128xf32, #tpu.memory_space<vmem>> -> memref<1x64xf32, #tpu.memory_space<vmem>>
    %dma_start3A_21 = tpu.memref_squeeze %dma_start3A_20 : memref<1x64xf32, #tpu.memory_space<vmem>> -> memref<64xf32, #tpu.memory_space<vmem>>
    %dma_start3A_22 = arith.constant 0 : i32
    %dma_start3A_23 = tpu.memref_slice %arg3[%squeeze3A_17, %dma_start3A_22] : memref<1000000x64xf32, #tpu.memory_space<hbm>> -> memref<1x64xf32, #tpu.memory_space<hbm>>
    %dma_start3A_24 = tpu.memref_squeeze %dma_start3A_23 : memref<1x64xf32, #tpu.memory_space<hbm>> -> memref<64xf32, #tpu.memory_space<hbm>>
    %dma_start3A_25 = arith.constant 0 : i32
    %dma_start3A_26 = tpu.memref_slice %arg6[%dma_start3A_18, %dma_start3A_25] : memref<512x128xf32, #tpu.memory_space<vmem>> -> memref<1x64xf32, #tpu.memory_space<vmem>>
    %dma_start3A_27 = tpu.memref_squeeze %dma_start3A_26 : memref<1x64xf32, #tpu.memory_space<vmem>> -> memref<64xf32, #tpu.memory_space<vmem>>
    %dma_start3A_28 = arith.constant 0 : i32
    %dma_start3A_29 = tpu.memref_slice %arg3[%squeeze3A_17, %dma_start3A_28] : memref<1000000x64xf32, #tpu.memory_space<hbm>> -> memref<1x64xf32, #tpu.memory_space<hbm>>
    %dma_start3A_30 = tpu.memref_squeeze %dma_start3A_29 : memref<1x64xf32, #tpu.memory_space<hbm>> -> memref<64xf32, #tpu.memory_space<hbm>>
    tpu.enqueue_dma source(%dma_start3A_30 : memref<64xf32, #tpu.memory_space<hbm>>) target(%dma_start3A_27 : memref<64xf32, #tpu.memory_space<vmem>>) target_semaphore(%arg7 : memref<!tpu.dma_semaphore, #tpu.memory_space<semaphore_mem>>)
    %slice3A_31 = vector.extract_strided_slice %get3A_3 {offsets = [2], sizes = [1], strides = [1]} : vector<16xi32> to vector<1xi32>
    %squeeze3A_32 = vector.extract %slice3A_31[0] : i32 from vector<1xi32>
    %dma_start3A_33 = arith.constant 2 : i32
    %dma_start3A_34 = arith.constant 0 : i32
    %dma_start3A_35 = tpu.memref_slice %arg6[%dma_start3A_33, %dma_start3A_34] : memref<512x128xf32, #tpu.memory_space<vmem>> -> memref<1x64xf32, #tpu.memory_space<vmem>>
    %dma_start3A_36 = tpu.memref_squeeze %dma_start3A_35 : memref<1x64xf32, #tpu.memory_space<vmem>> -> memref<64xf32, #tpu.memory_space<vmem>>
    %dma_start3A_37 = arith.constant 0 : i32
    %dma_start3A_38 = tpu.memref_slice %arg3[%squeeze3A_32, %dma_start3A_37] : memref<1000000x64xf32, #tpu.memory_space<hbm>> -> memref<1x64xf32, #tpu.memory_space<hbm>>
    %dma_start3A_39 = tpu.memref_squeeze %dma_start3A_38 : memref<1x64xf32, #tpu.memory_space<hbm>> -> memref<64xf32, #tpu.memory_space<hbm>>
    %dma_start3A_40 = arith.constant 0 : i32
    %dma_start3A_41 = tpu.memref_slice %arg6[%dma_start3A_33, %dma_start3A_40] : memref<512x128xf32, #tpu.memory_space<vmem>> -> memref<1x64xf32, #tpu.memory_space<vmem>>
    %dma_start3A_42 = tpu.memref_squeeze %dma_start3A_41 : memref<1x64xf32, #tpu.memory_space<vmem>> -> memref<64xf32, #tpu.memory_space<vmem>>
    %dma_start3A_43 = arith.constant 0 : i32
    %dma_start3A_44 = tpu.memref_slice %arg3[%squeeze3A_32, %dma_start3A_43] : memref<1000000x64xf32, #tpu.memory_space<hbm>> -> memref<1x64xf32, #tpu.memory_space<hbm>>
    %dma_start3A_45 = tpu.memref_squeeze %dma_start3A_44 : memref<1x64xf32, #tpu.memory_space<hbm>> -> memref<64xf32, #tpu.memory_space<hbm>>
    tpu.enqueue_dma source(%dma_start3A_45 : memref<64xf32, #tpu.memory_space<hbm>>) target(%dma_start3A_42 : memref<64xf32, #tpu.memory_space<vmem>>) target_semaphore(%arg7 : memref<!tpu.dma_semaphore, #tpu.memory_space<semaphore_mem>>)
    %slice3A_46 = vector.extract_strided_slice %get3A_3 {offsets = [3], sizes = [1], strides = [1]} : vector<16xi32> to vector<1xi32>
    %squeeze3A_47 = vector.extract %slice3A_46[0] : i32 from vector<1xi32>
    %dma_start3A_48 = arith.constant 3 : i32
    %dma_start3A_49 = arith.constant 0 : i32
    %dma_start3A_50 = tpu.memref_slice %arg6[%dma_start3A_48, %dma_start3A_49] : memref<512x128xf32, #tpu.memory_space<vmem>> -> memref<1x64xf32, #tpu.memory_space<vmem>>
    %dma_start3A_51 = tpu.memref_squeeze %dma_start3A_50 : memref<1x64xf32, #tpu.memory_space<vmem>> -> memref<64xf32, #tpu.memory_space<vmem>>
    %dma_start3A_52 = arith.constant 0 : i32
    %dma_start3A_53 = tpu.memref_slice %arg3[%squeeze3A_47, %dma_start3A_52] : memref<1000000x64xf32, #tpu.memory_space<hbm>> -> memref<1x64xf32, #tpu.memory_space<hbm>>
    %dma_start3A_54 = tpu.memref_squeeze %dma_start3A_53 : memref<1x64xf32, #tpu.memory_space<hbm>> -> memref<64xf32, #tpu.memory_space<hbm>>
    %dma_start3A_55 = arith.constant 0 : i32
    %dma_start3A_56 = tpu.memref_slice %arg6[%dma_start3A_48, %dma_start3A_55] : memref<512x128xf32, #tpu.memory_space<vmem>> -> memref<1x64xf32, #tpu.memory_space<vmem>>
    %dma_start3A_57 = tpu.memref_squeeze %dma_start3A_56 : memref<1x64xf32, #tpu.memory_space<vmem>> -> memref<64xf32, #tpu.memory_space<vmem>>
    %dma_start3A_58 = arith.constant 0 : i32
    %dma_start3A_59 = tpu.memref_slice %arg3[%squeeze3A_47, %dma_start3A_58] : memref<1000000x64xf32, #tpu.memory_space<hbm>> -> memref<1x64xf32, #tpu.memory_space<hbm>>
    %dma_start3A_60 = tpu.memref_squeeze %dma_start3A_59 : memref<1x64xf32, #tpu.memory_space<hbm>> -> memref<64xf32, #tpu.memory_space<hbm>>
    tpu.enqueue_dma source(%dma_start3A_60 : memref<64xf32, #tpu.memory_space<hbm>>) target(%dma_start3A_57 : memref<64xf32, #tpu.memory_space<vmem>>) target_semaphore(%arg7 : memref<!tpu.dma_semaphore, #tpu.memory_space<semaphore_mem>>)
    %slice3A_61 = vector.extract_strided_slice %get3A_3 {offsets = [4], sizes = [1], strides = [1]} : vector<16xi32> to vector<1xi32>
    %squeeze3A_62 = vector.extract %slice3A_61[0] : i32 from vector<1xi32>
    %dma_start3A_63 = arith.constant 4 : i32
    %dma_start3A_64 = arith.constant 0 : i32
    %dma_start3A_65 = tpu.memref_slice %arg6[%dma_start3A_63, %dma_start3A_64] : memref<512x128xf32, #tpu.memory_space<vmem>> -> memref<1x64xf32, #tpu.memory_space<vmem>>
    %dma_start3A_66 = tpu.memref_squeeze %dma_start3A_65 : memref<1x64xf32, #tpu.memory_space<vmem>> -> memref<64xf32, #tpu.memory_space<vmem>>
    %dma_start3A_67 = arith.constant 0 : i32
    %dma_start3A_68 = tpu.memref_slice %arg3[%squeeze3A_62, %dma_start3A_67] : memref<1000000x64xf32, #tpu.memory_space<hbm>> -> memref<1x64xf32, #tpu.memory_space<hbm>>
    %dma_start3A_69 = tpu.memref_squeeze %dma_start3A_68 : memref<1x64xf32, #tpu.memory_space<hbm>> -> memref<64xf32, #tpu.memory_space<hbm>>
    %dma_start3A_70 = arith.constant 0 : i32
    %dma_start3A_71 = tpu.memref_slice %arg6[%dma_start3A_63, %dma_start3A_70] : memref<512x128xf32, #tpu.memory_space<vmem>> -> memref<1x64xf32, #tpu.memory_space<vmem>>
    %dma_start3A_72 = tpu.memref_squeeze %dma_start3A_71 : memref<1x64xf32, #tpu.memory_space<vmem>> -> memref<64xf32, #tpu.memory_space<vmem>>
    %dma_start3A_73 = arith.constant 0 : i32
    %dma_start3A_74 = tpu.memref_slice %arg3[%squeeze3A_62, %dma_start3A_73] : memref<1000000x64xf32, #tpu.memory_space<hbm>> -> memref<1x64xf32, #tpu.memory_space<hbm>>
    %dma_start3A_75 = tpu.memref_squeeze %dma_start3A_74 : memref<1x64xf32, #tpu.memory_space<hbm>> -> memref<64xf32, #tpu.memory_space<hbm>>
    tpu.enqueue_dma source(%dma_start3A_75 : memref<64xf32, #tpu.memory_space<hbm>>) target(%dma_start3A_72 : memref<64xf32, #tpu.memory_space<vmem>>) target_semaphore(%arg7 : memref<!tpu.dma_semaphore, #tpu.memory_space<semaphore_mem>>)
    %slice3A_76 = vector.extract_strided_slice %get3A_3 {offsets = [5], sizes = [1], strides = [1]} : vector<16xi32> to vector<1xi32>
    %squeeze3A_77 = vector.extract %slice3A_76[0] : i32 from vector<1xi32>
    %dma_start3A_78 = arith.constant 5 : i32
    %dma_start3A_79 = arith.constant 0 : i32
    %dma_start3A_80 = tpu.memref_slice %arg6[%dma_start3A_78, %dma_start3A_79] : memref<512x128xf32, #tpu.memory_space<vmem>> -> memref<1x64xf32, #tpu.memory_space<vmem>>
    %dma_start3A_81 = tpu.memref_squeeze %dma_start3A_80 : memref<1x64xf32, #tpu.memory_space<vmem>> -> memref<64xf32, #tpu.memory_space<vmem>>
    %dma_start3A_82 = arith.constant 0 : i32
    %dma_start3A_83 = tpu.memref_slice %arg3[%squeeze3A_77, %dma_start3A_82] : memref<1000000x64xf32, #tpu.memory_space<hbm>> -> memref<1x64xf32, #tpu.memory_space<hbm>>
    %dma_start3A_84 = tpu.memref_squeeze %dma_start3A_83 : memref<1x64xf32, #tpu.memory_space<hbm>> -> memref<64xf32, #tpu.memory_space<hbm>>
    %dma_start3A_85 = arith.constant 0 : i32
    %dma_start3A_86 = tpu.memref_slice %arg6[%dma_start3A_78, %dma_start3A_85] : memref<512x128xf32, #tpu.memory_space<vmem>> -> memref<1x64xf32, #tpu.memory_space<vmem>>
    %dma_start3A_87 = tpu.memref_squeeze %dma_start3A_86 : memref<1x64xf32, #tpu.memory_space<vmem>> -> memref<64xf32, #tpu.memory_space<vmem>>
    %dma_start3A_88 = arith.constant 0 : i32
    %dma_start3A_89 = tpu.memref_slice %arg3[%squeeze3A_77, %dma_start3A_88] : memref<1000000x64xf32, #tpu.memory_space<hbm>> -> memref<1x64xf32, #tpu.memory_space<hbm>>
    %dma_start3A_90 = tpu.memref_squeeze %dma_start3A_89 : memref<1x64xf32, #tpu.memory_space<hbm>> -> memref<64xf32, #tpu.memory_space<hbm>>
    tpu.enqueue_dma source(%dma_start3A_90 : memref<64xf32, #tpu.memory_space<hbm>>) target(%dma_start3A_87 : memref<64xf32, #tpu.memory_space<vmem>>) target_semaphore(%arg7 : memref<!tpu.dma_semaphore, #tpu.memory_space<semaphore_mem>>)
    %slice3A_91 = vector.extract_strided_slice %get3A_3 {offsets = [6], sizes = [1], strides = [1]} : vector<16xi32> to vector<1xi32>
    %squeeze3A_92 = vector.extract %slice3A_91[0] : i32 from vector<1xi32>
    %dma_start3A_93 = arith.constant 6 : i32
    %dma_start3A_94 = arith.constant 0 : i32
    %dma_start3A_95 = tpu.memref_slice %arg6[%dma_start3A_93, %dma_start3A_94] : memref<512x128xf32, #tpu.memory_space<vmem>> -> memref<1x64xf32, #tpu.memory_space<vmem>>
    %dma_start3A_96 = tpu.memref_squeeze %dma_start3A_95 : memref<1x64xf32, #tpu.memory_space<vmem>> -> memref<64xf32, #tpu.memory_space<vmem>>
    %dma_start3A_97 = arith.constant 0 : i32
    %dma_start3A_98 = tpu.memref_slice %arg3[%squeeze3A_92, %dma_start3A_97] : memref<1000000x64xf32, #tpu.memory_space<hbm>> -> memref<1x64xf32, #tpu.memory_space<hbm>>
    %dma_start3A_99 = tpu.memref_squeeze %dma_start3A_98 : memref<1x64xf32, #tpu.memory_space<hbm>> -> memref<64xf32, #tpu.memory_space<hbm>>
    %dma_start3A_100 = arith.constant 0 : i32
    %dma_start3A_101 = tpu.memref_slice %arg6[%dma_start3A_93, %dma_start3A_100] : memref<512x128xf32, #tpu.memory_space<vmem>> -> memref<1x64xf32, #tpu.memory_space<vmem>>
    %dma_start3A_102 = tpu.memref_squeeze %dma_start3A_101 : memref<1x64xf32, #tpu.memory_space<vmem>> -> memref<64xf32, #tpu.memory_space<vmem>>
    %dma_start3A_103 = arith.constant 0 : i32
    %dma_start3A_104 = tpu.memref_slice %arg3[%squeeze3A_92, %dma_start3A_103] : memref<1000000x64xf32, #tpu.memory_space<hbm>> -> memref<1x64xf32, #tpu.memory_space<hbm>>
    %dma_start3A_105 = tpu.memref_squeeze %dma_start3A_104 : memref<1x64xf32, #tpu.memory_space<hbm>> -> memref<64xf32, #tpu.memory_space<hbm>>
    tpu.enqueue_dma source(%dma_start3A_105 : memref<64xf32, #tpu.memory_space<hbm>>) target(%dma_start3A_102 : memref<64xf32, #tpu.memory_space<vmem>>) target_semaphore(%arg7 : memref<!tpu.dma_semaphore, #tpu.memory_space<semaphore_mem>>)
    %slice3A_106 = vector.extract_strided_slice %get3A_3 {offsets = [7], sizes = [1], strides = [1]} : vector<16xi32> to vector<1xi32>
    %squeeze3A_107 = vector.extract %slice3A_106[0] : i32 from vector<1xi32>
    %dma_start3A_108 = arith.constant 7 : i32
    %dma_start3A_109 = arith.constant 0 : i32
    %dma_start3A_110 = tpu.memref_slice %arg6[%dma_start3A_108, %dma_start3A_109] : memref<512x128xf32, #tpu.memory_space<vmem>> -> memref<1x64xf32, #tpu.memory_space<vmem>>
    %dma_start3A_111 = tpu.memref_squeeze %dma_start3A_110 : memref<1x64xf32, #tpu.memory_space<vmem>> -> memref<64xf32, #tpu.memory_space<vmem>>
    %dma_start3A_112 = arith.constant 0 : i32
    %dma_start3A_113 = tpu.memref_slice %arg3[%squeeze3A_107, %dma_start3A_112] : memref<1000000x64xf32, #tpu.memory_space<hbm>> -> memref<1x64xf32, #tpu.memory_space<hbm>>
    %dma_start3A_114 = tpu.memref_squeeze %dma_start3A_113 : memref<1x64xf32, #tpu.memory_space<hbm>> -> memref<64xf32, #tpu.memory_space<hbm>>
    %dma_start3A_115 = arith.constant 0 : i32
    %dma_start3A_116 = tpu.memref_slice %arg6[%dma_start3A_108, %dma_start3A_115] : memref<512x128xf32, #tpu.memory_space<vmem>> -> memref<1x64xf32, #tpu.memory_space<vmem>>
    %dma_start3A_117 = tpu.memref_squeeze %dma_start3A_116 : memref<1x64xf32, #tpu.memory_space<vmem>> -> memref<64xf32, #tpu.memory_space<vmem>>
    %dma_start3A_118 = arith.constant 0 : i32
    %dma_start3A_119 = tpu.memref_slice %arg3[%squeeze3A_107, %dma_start3A_118] : memref<1000000x64xf32, #tpu.memory_space<hbm>> -> memref<1x64xf32, #tpu.memory_space<hbm>>
    %dma_start3A_120 = tpu.memref_squeeze %dma_start3A_119 : memref<1x64xf32, #tpu.memory_space<hbm>> -> memref<64xf32, #tpu.memory_space<hbm>>
    tpu.enqueue_dma source(%dma_start3A_120 : memref<64xf32, #tpu.memory_space<hbm>>) target(%dma_start3A_117 : memref<64xf32, #tpu.memory_space<vmem>>) target_semaphore(%arg7 : memref<!tpu.dma_semaphore, #tpu.memory_space<semaphore_mem>>)
    %slice3A_121 = vector.extract_strided_slice %get3A_3 {offsets = [8], sizes = [1], strides = [1]} : vector<16xi32> to vector<1xi32>
    %squeeze3A_122 = vector.extract %slice3A_121[0] : i32 from vector<1xi32>
    %dma_start3A_123 = arith.constant 8 : i32
    %dma_start3A_124 = arith.constant 0 : i32
    %dma_start3A_125 = tpu.memref_slice %arg6[%dma_start3A_123, %dma_start3A_124] : memref<512x128xf32, #tpu.memory_space<vmem>> -> memref<1x64xf32, #tpu.memory_space<vmem>>
    %dma_start3A_126 = tpu.memref_squeeze %dma_start3A_125 : memref<1x64xf32, #tpu.memory_space<vmem>> -> memref<64xf32, #tpu.memory_space<vmem>>
    %dma_start3A_127 = arith.constant 0 : i32
    %dma_start3A_128 = tpu.memref_slice %arg3[%squeeze3A_122, %dma_start3A_127] : memref<1000000x64xf32, #tpu.memory_space<hbm>> -> memref<1x64xf32, #tpu.memory_space<hbm>>
    %dma_start3A_129 = tpu.memref_squeeze %dma_start3A_128 : memref<1x64xf32, #tpu.memory_space<hbm>> -> memref<64xf32, #tpu.memory_space<hbm>>
    %dma_start3A_130 = arith.constant 0 : i32
    %dma_start3A_131 = tpu.memref_slice %arg6[%dma_start3A_123, %dma_start3A_130] : memref<512x128xf32, #tpu.memory_space<vmem>> -> memref<1x64xf32, #tpu.memory_space<vmem>>
    %dma_start3A_132 = tpu.memref_squeeze %dma_start3A_131 : memref<1x64xf32, #tpu.memory_space<vmem>> -> memref<64xf32, #tpu.memory_space<vmem>>
    %dma_start3A_133 = arith.constant 0 : i32
    %dma_start3A_134 = tpu.memref_slice %arg3[%squeeze3A_122, %dma_start3A_133] : memref<1000000x64xf32, #tpu.memory_space<hbm>> -> memref<1x64xf32, #tpu.memory_space<hbm>>
    %dma_start3A_135 = tpu.memref_squeeze %dma_start3A_134 : memref<1x64xf32, #tpu.memory_space<hbm>> -> memref<64xf32, #tpu.memory_space<hbm>>
    tpu.enqueue_dma source(%dma_start3A_135 : memref<64xf32, #tpu.memory_space<hbm>>) target(%dma_start3A_132 : memref<64xf32, #tpu.memory_space<vmem>>) target_semaphore(%arg7 : memref<!tpu.dma_semaphore, #tpu.memory_space<semaphore_mem>>)
    %slice3A_136 = vector.extract_strided_slice %get3A_3 {offsets = [9], sizes = [1], strides = [1]} : vector<16xi32> to vector<1xi32>
    %squeeze3A_137 = vector.extract %slice3A_136[0] : i32 from vector<1xi32>
    %dma_start3A_138 = arith.constant 9 : i32
    %dma_start3A_139 = arith.constant 0 : i32
    %dma_start3A_140 = tpu.memref_slice %arg6[%dma_start3A_138, %dma_start3A_139] : memref<512x128xf32, #tpu.memory_space<vmem>> -> memref<1x64xf32, #tpu.memory_space<vmem>>
    %dma_start3A_141 = tpu.memref_squeeze %dma_start3A_140 : memref<1x64xf32, #tpu.memory_space<vmem>> -> memref<64xf32, #tpu.memory_space<vmem>>
    %dma_start3A_142 = arith.constant 0 : i32
    %dma_start3A_143 = tpu.memref_slice %arg3[%squeeze3A_137, %dma_start3A_142] : memref<1000000x64xf32, #tpu.memory_space<hbm>> -> memref<1x64xf32, #tpu.memory_space<hbm>>
    %dma_start3A_144 = tpu.memref_squeeze %dma_start3A_143 : memref<1x64xf32, #tpu.memory_space<hbm>> -> memref<64xf32, #tpu.memory_space<hbm>>
    %dma_start3A_145 = arith.constant 0 : i32
    %dma_start3A_146 = tpu.memref_slice %arg6[%dma_start3A_138, %dma_start3A_145] : memref<512x128xf32, #tpu.memory_space<vmem>> -> memref<1x64xf32, #tpu.memory_space<vmem>>
    %dma_start3A_147 = tpu.memref_squeeze %dma_start3A_146 : memref<1x64xf32, #tpu.memory_space<vmem>> -> memref<64xf32, #tpu.memory_space<vmem>>
    %dma_start3A_148 = arith.constant 0 : i32
    %dma_start3A_149 = tpu.memref_slice %arg3[%squeeze3A_137, %dma_start3A_148] : memref<1000000x64xf32, #tpu.memory_space<hbm>> -> memref<1x64xf32, #tpu.memory_space<hbm>>
    %dma_start3A_150 = tpu.memref_squeeze %dma_start3A_149 : memref<1x64xf32, #tpu.memory_space<hbm>> -> memref<64xf32, #tpu.memory_space<hbm>>
    tpu.enqueue_dma source(%dma_start3A_150 : memref<64xf32, #tpu.memory_space<hbm>>) target(%dma_start3A_147 : memref<64xf32, #tpu.memory_space<vmem>>) target_semaphore(%arg7 : memref<!tpu.dma_semaphore, #tpu.memory_space<semaphore_mem>>)
    %slice3A_151 = vector.extract_strided_slice %get3A_3 {offsets = [10], sizes = [1], strides = [1]} : vector<16xi32> to vector<1xi32>
    %squeeze3A_152 = vector.extract %slice3A_151[0] : i32 from vector<1xi32>
    %dma_start3A_153 = arith.constant 10 : i32
    %dma_start3A_154 = arith.constant 0 : i32
    %dma_start3A_155 = tpu.memref_slice %arg6[%dma_start3A_153, %dma_start3A_154] : memref<512x128xf32, #tpu.memory_space<vmem>> -> memref<1x64xf32, #tpu.memory_space<vmem>>
    %dma_start3A_156 = tpu.memref_squeeze %dma_start3A_155 : memref<1x64xf32, #tpu.memory_space<vmem>> -> memref<64xf32, #tpu.memory_space<vmem>>
    %dma_start3A_157 = arith.constant 0 : i32
    %dma_start3A_158 = tpu.memref_slice %arg3[%squeeze3A_152, %dma_start3A_157] : memref<1000000x64xf32, #tpu.memory_space<hbm>> -> memref<1x64xf32, #tpu.memory_space<hbm>>
    %dma_start3A_159 = tpu.memref_squeeze %dma_start3A_158 : memref<1x64xf32, #tpu.memory_space<hbm>> -> memref<64xf32, #tpu.memory_space<hbm>>
    %dma_start3A_160 = arith.constant 0 : i32
    %dma_start3A_161 = tpu.memref_slice %arg6[%dma_start3A_153, %dma_start3A_160] : memref<512x128xf32, #tpu.memory_space<vmem>> -> memref<1x64xf32, #tpu.memory_space<vmem>>
    %dma_start3A_162 = tpu.memref_squeeze %dma_start3A_161 : memref<1x64xf32, #tpu.memory_space<vmem>> -> memref<64xf32, #tpu.memory_space<vmem>>
    %dma_start3A_163 = arith.constant 0 : i32
    %dma_start3A_164 = tpu.memref_slice %arg3[%squeeze3A_152, %dma_start3A_163] : memref<1000000x64xf32, #tpu.memory_space<hbm>> -> memref<1x64xf32, #tpu.memory_space<hbm>>
    %dma_start3A_165 = tpu.memref_squeeze %dma_start3A_164 : memref<1x64xf32, #tpu.memory_space<hbm>> -> memref<64xf32, #tpu.memory_space<hbm>>
    tpu.enqueue_dma source(%dma_start3A_165 : memref<64xf32, #tpu.memory_space<hbm>>) target(%dma_start3A_162 : memref<64xf32, #tpu.memory_space<vmem>>) target_semaphore(%arg7 : memref<!tpu.dma_semaphore, #tpu.memory_space<semaphore_mem>>)
    %slice3A_166 = vector.extract_strided_slice %get3A_3 {offsets = [11], sizes = [1], strides = [1]} : vector<16xi32> to vector<1xi32>
    %squeeze3A_167 = vector.extract %slice3A_166[0] : i32 from vector<1xi32>
    %dma_start3A_168 = arith.constant 11 : i32
    %dma_start3A_169 = arith.constant 0 : i32
    %dma_start3A_170 = tpu.memref_slice %arg6[%dma_start3A_168, %dma_start3A_169] : memref<512x128xf32, #tpu.memory_space<vmem>> -> memref<1x64xf32, #tpu.memory_space<vmem>>
    %dma_start3A_171 = tpu.memref_squeeze %dma_start3A_170 : memref<1x64xf32, #tpu.memory_space<vmem>> -> memref<64xf32, #tpu.memory_space<vmem>>
    %dma_start3A_172 = arith.constant 0 : i32
    %dma_start3A_173 = tpu.memref_slice %arg3[%squeeze3A_167, %dma_start3A_172] : memref<1000000x64xf32, #tpu.memory_space<hbm>> -> memref<1x64xf32, #tpu.memory_space<hbm>>
    %dma_start3A_174 = tpu.memref_squeeze %dma_start3A_173 : memref<1x64xf32, #tpu.memory_space<hbm>> -> memref<64xf32, #tpu.memory_space<hbm>>
    %dma_start3A_175 = arith.constant 0 : i32
    %dma_start3A_176 = tpu.memref_slice %arg6[%dma_start3A_168, %dma_start3A_175] : memref<512x128xf32, #tpu.memory_space<vmem>> -> memref<1x64xf32, #tpu.memory_space<vmem>>
    %dma_start3A_177 = tpu.memref_squeeze %dma_start3A_176 : memref<1x64xf32, #tpu.memory_space<vmem>> -> memref<64xf32, #tpu.memory_space<vmem>>
    %dma_start3A_178 = arith.constant 0 : i32
    %dma_start3A_179 = tpu.memref_slice %arg3[%squeeze3A_167, %dma_start3A_178] : memref<1000000x64xf32, #tpu.memory_space<hbm>> -> memref<1x64xf32, #tpu.memory_space<hbm>>
    %dma_start3A_180 = tpu.memref_squeeze %dma_start3A_179 : memref<1x64xf32, #tpu.memory_space<hbm>> -> memref<64xf32, #tpu.memory_space<hbm>>
    tpu.enqueue_dma source(%dma_start3A_180 : memref<64xf32, #tpu.memory_space<hbm>>) target(%dma_start3A_177 : memref<64xf32, #tpu.memory_space<vmem>>) target_semaphore(%arg7 : memref<!tpu.dma_semaphore, #tpu.memory_space<semaphore_mem>>)
    %slice3A_181 = vector.extract_strided_slice %get3A_3 {offsets = [12], sizes = [1], strides = [1]} : vector<16xi32> to vector<1xi32>
    %squeeze3A_182 = vector.extract %slice3A_181[0] : i32 from vector<1xi32>
    %dma_start3A_183 = arith.constant 12 : i32
    %dma_start3A_184 = arith.constant 0 : i32
    %dma_start3A_185 = tpu.memref_slice %arg6[%dma_start3A_183, %dma_start3A_184] : memref<512x128xf32, #tpu.memory_space<vmem>> -> memref<1x64xf32, #tpu.memory_space<vmem>>
    %dma_start3A_186 = tpu.memref_squeeze %dma_start3A_185 : memref<1x64xf32, #tpu.memory_space<vmem>> -> memref<64xf32, #tpu.memory_space<vmem>>
    %dma_start3A_187 = arith.constant 0 : i32
    %dma_start3A_188 = tpu.memref_slice %arg3[%squeeze3A_182, %dma_start3A_187] : memref<1000000x64xf32, #tpu.memory_space<hbm>> -> memref<1x64xf32, #tpu.memory_space<hbm>>
    %dma_start3A_189 = tpu.memref_squeeze %dma_start3A_188 : memref<1x64xf32, #tpu.memory_space<hbm>> -> memref<64xf32, #tpu.memory_space<hbm>>
    %dma_start3A_190 = arith.constant 0 : i32
    %dma_start3A_191 = tpu.memref_slice %arg6[%dma_start3A_183, %dma_start3A_190] : memref<512x128xf32, #tpu.memory_space<vmem>> -> memref<1x64xf32, #tpu.memory_space<vmem>>
    %dma_start3A_192 = tpu.memref_squeeze %dma_start3A_191 : memref<1x64xf32, #tpu.memory_space<vmem>> -> memref<64xf32, #tpu.memory_space<vmem>>
    %dma_start3A_193 = arith.constant 0 : i32
    %dma_start3A_194 = tpu.memref_slice %arg3[%squeeze3A_182, %dma_start3A_193] : memref<1000000x64xf32, #tpu.memory_space<hbm>> -> memref<1x64xf32, #tpu.memory_space<hbm>>
    %dma_start3A_195 = tpu.memref_squeeze %dma_start3A_194 : memref<1x64xf32, #tpu.memory_space<hbm>> -> memref<64xf32, #tpu.memory_space<hbm>>
    tpu.enqueue_dma source(%dma_start3A_195 : memref<64xf32, #tpu.memory_space<hbm>>) target(%dma_start3A_192 : memref<64xf32, #tpu.memory_space<vmem>>) target_semaphore(%arg7 : memref<!tpu.dma_semaphore, #tpu.memory_space<semaphore_mem>>)
    %slice3A_196 = vector.extract_strided_slice %get3A_3 {offsets = [13], sizes = [1], strides = [1]} : vector<16xi32> to vector<1xi32>
    %squeeze3A_197 = vector.extract %slice3A_196[0] : i32 from vector<1xi32>
    %dma_start3A_198 = arith.constant 13 : i32
    %dma_start3A_199 = arith.constant 0 : i32
    %dma_start3A_200 = tpu.memref_slice %arg6[%dma_start3A_198, %dma_start3A_199] : memref<512x128xf32, #tpu.memory_space<vmem>> -> memref<1x64xf32, #tpu.memory_space<vmem>>
    %dma_start3A_201 = tpu.memref_squeeze %dma_start3A_200 : memref<1x64xf32, #tpu.memory_space<vmem>> -> memref<64xf32, #tpu.memory_space<vmem>>
    %dma_start3A_202 = arith.constant 0 : i32
    %dma_start3A_203 = tpu.memref_slice %arg3[%squeeze3A_197, %dma_start3A_202] : memref<1000000x64xf32, #tpu.memory_space<hbm>> -> memref<1x64xf32, #tpu.memory_space<hbm>>
    %dma_start3A_204 = tpu.memref_squeeze %dma_start3A_203 : memref<1x64xf32, #tpu.memory_space<hbm>> -> memref<64xf32, #tpu.memory_space<hbm>>
    %dma_start3A_205 = arith.constant 0 : i32
    %dma_start3A_206 = tpu.memref_slice %arg6[%dma_start3A_198, %dma_start3A_205] : memref<512x128xf32, #tpu.memory_space<vmem>> -> memref<1x64xf32, #tpu.memory_space<vmem>>
    %dma_start3A_207 = tpu.memref_squeeze %dma_start3A_206 : memref<1x64xf32, #tpu.memory_space<vmem>> -> memref<64xf32, #tpu.memory_space<vmem>>
    %dma_start3A_208 = arith.constant 0 : i32
    %dma_start3A_209 = tpu.memref_slice %arg3[%squeeze3A_197, %dma_start3A_208] : memref<1000000x64xf32, #tpu.memory_space<hbm>> -> memref<1x64xf32, #tpu.memory_space<hbm>>
    %dma_start3A_210 = tpu.memref_squeeze %dma_start3A_209 : memref<1x64xf32, #tpu.memory_space<hbm>> -> memref<64xf32, #tpu.memory_space<hbm>>
    tpu.enqueue_dma source(%dma_start3A_210 : memref<64xf32, #tpu.memory_space<hbm>>) target(%dma_start3A_207 : memref<64xf32, #tpu.memory_space<vmem>>) target_semaphore(%arg7 : memref<!tpu.dma_semaphore, #tpu.memory_space<semaphore_mem>>)
    %slice3A_211 = vector.extract_strided_slice %get3A_3 {offsets = [14], sizes = [1], strides = [1]} : vector<16xi32> to vector<1xi32>
    %squeeze3A_212 = vector.extract %slice3A_211[0] : i32 from vector<1xi32>
    %dma_start3A_213 = arith.constant 14 : i32
    %dma_start3A_214 = arith.constant 0 : i32
    %dma_start3A_215 = tpu.memref_slice %arg6[%dma_start3A_213, %dma_start3A_214] : memref<512x128xf32, #tpu.memory_space<vmem>> -> memref<1x64xf32, #tpu.memory_space<vmem>>
    %dma_start3A_216 = tpu.memref_squeeze %dma_start3A_215 : memref<1x64xf32, #tpu.memory_space<vmem>> -> memref<64xf32, #tpu.memory_space<vmem>>
    %dma_start3A_217 = arith.constant 0 : i32
    %dma_start3A_218 = tpu.memref_slice %arg3[%squeeze3A_212, %dma_start3A_217] : memref<1000000x64xf32, #tpu.memory_space<hbm>> -> memref<1x64xf32, #tpu.memory_space<hbm>>
    %dma_start3A_219 = tpu.memref_squeeze %dma_start3A_218 : memref<1x64xf32, #tpu.memory_space<hbm>> -> memref<64xf32, #tpu.memory_space<hbm>>
    %dma_start3A_220 = arith.constant 0 : i32
    %dma_start3A_221 = tpu.memref_slice %arg6[%dma_start3A_213, %dma_start3A_220] : memref<512x128xf32, #tpu.memory_space<vmem>> -> memref<1x64xf32, #tpu.memory_space<vmem>>
    %dma_start3A_222 = tpu.memref_squeeze %dma_start3A_221 : memref<1x64xf32, #tpu.memory_space<vmem>> -> memref<64xf32, #tpu.memory_space<vmem>>
    %dma_start3A_223 = arith.constant 0 : i32
    %dma_start3A_224 = tpu.memref_slice %arg3[%squeeze3A_212, %dma_start3A_223] : memref<1000000x64xf32, #tpu.memory_space<hbm>> -> memref<1x64xf32, #tpu.memory_space<hbm>>
    %dma_start3A_225 = tpu.memref_squeeze %dma_start3A_224 : memref<1x64xf32, #tpu.memory_space<hbm>> -> memref<64xf32, #tpu.memory_space<hbm>>
    tpu.enqueue_dma source(%dma_start3A_225 : memref<64xf32, #tpu.memory_space<hbm>>) target(%dma_start3A_222 : memref<64xf32, #tpu.memory_space<vmem>>) target_semaphore(%arg7 : memref<!tpu.dma_semaphore, #tpu.memory_space<semaphore_mem>>)
    %slice3A_226 = vector.extract_strided_slice %get3A_3 {offsets = [15], sizes = [1], strides = [1]} : vector<16xi32> to vector<1xi32>
    %squeeze3A_227 = vector.extract %slice3A_226[0] : i32 from vector<1xi32>
    %dma_start3A_228 = arith.constant 15 : i32
    %dma_start3A_229 = arith.constant 0 : i32
    %dma_start3A_230 = tpu.memref_slice %arg6[%dma_start3A_228, %dma_start3A_229] : memref<512x128xf32, #tpu.memory_space<vmem>> -> memref<1x64xf32, #tpu.memory_space<vmem>>
    %dma_start3A_231 = tpu.memref_squeeze %dma_start3A_230 : memref<1x64xf32, #tpu.memory_space<vmem>> -> memref<64xf32, #tpu.memory_space<vmem>>
    %dma_start3A_232 = arith.constant 0 : i32
    %dma_start3A_233 = tpu.memref_slice %arg3[%squeeze3A_227, %dma_start3A_232] : memref<1000000x64xf32, #tpu.memory_space<hbm>> -> memref<1x64xf32, #tpu.memory_space<hbm>>
    %dma_start3A_234 = tpu.memref_squeeze %dma_start3A_233 : memref<1x64xf32, #tpu.memory_space<hbm>> -> memref<64xf32, #tpu.memory_space<hbm>>
    %dma_start3A_235 = arith.constant 0 : i32
    %dma_start3A_236 = tpu.memref_slice %arg6[%dma_start3A_228, %dma_start3A_235] : memref<512x128xf32, #tpu.memory_space<vmem>> -> memref<1x64xf32, #tpu.memory_space<vmem>>
    %dma_start3A_237 = tpu.memref_squeeze %dma_start3A_236 : memref<1x64xf32, #tpu.memory_space<vmem>> -> memref<64xf32, #tpu.memory_space<vmem>>
    %dma_start3A_238 = arith.constant 0 : i32
    %dma_start3A_239 = tpu.memref_slice %arg3[%squeeze3A_227, %dma_start3A_238] : memref<1000000x64xf32, #tpu.memory_space<hbm>> -> memref<1x64xf32, #tpu.memory_space<hbm>>
    %dma_start3A_240 = tpu.memref_squeeze %dma_start3A_239 : memref<1x64xf32, #tpu.memory_space<hbm>> -> memref<64xf32, #tpu.memory_space<hbm>>
    tpu.enqueue_dma source(%dma_start3A_240 : memref<64xf32, #tpu.memory_space<hbm>>) target(%dma_start3A_237 : memref<64xf32, #tpu.memory_space<vmem>>) target_semaphore(%arg7 : memref<!tpu.dma_semaphore, #tpu.memory_space<semaphore_mem>>)
    %get3A_241 = arith.constant 16 : index
    %get3A_242 = tpu.vector_load %arg5[%get3A_241] {strides = array<i32>} : memref<512xi32, #tpu.memory_space<vmem>>, vector<16xi32>,
    %slice3A_243 = vector.extract_strided_slice %get3A_242 {offsets = [0], sizes = [1], strides = [1]} : vector<16xi32> to vector<1xi32>
    %squeeze3A_244 = vector.extract %slice3A_243[0] : i32 from vector<1xi32>
    %dma_start3A_245 = arith.constant 16 : i32
    %dma_start3A_246 = arith.constant 0 : i32
    %dma_start3A_247 = tpu.memref_slice %arg6[%dma_start3A_245, %dma_start3A_246] : memref<512x128xf32, #tpu.memory_space<vmem>> -> memref<1x64xf32, #tpu.memory_space<vmem>>
    %dma_start3A_248 = tpu.memref_squeeze %dma_start3A_247 : memref<1x64xf32, #tpu.memory_space<vmem>> -> memref<64xf32, #tpu.memory_space<vmem>>
    %dma_start3A_249 = arith.constant 0 : i32
    %dma_start3A_250 = tpu.memref_slice %arg3[%squeeze3A_244, %dma_start3A_249] : memref<1000000x64xf32, #tpu.memory_space<hbm>> -> memref<1x64xf32, #tpu.memory_space<hbm>>
    %dma_start3A_251 = tpu.memref_squeeze %dma_start3A_250 : memref<1x64xf32, #tpu.memory_space<hbm>> -> memref<64xf32, #tpu.memory_space<hbm>>
    %dma_start3A_252 = arith.constant 0 : i32
    %dma_start3A_253 = tpu.memref_slice %arg6[%dma_start3A_245, %dma_start3A_252] : memref<512x128xf32, #tpu.memory_space<vmem>> -> memref<1x64xf32, #tpu.memory_space<vmem>>
    %dma_start3A_254 = tpu.memref_squeeze %dma_start3A_253 : memref<1x64xf32, #tpu.memory_space<vmem>> -> memref<64xf32, #tpu.memory_space<vmem>>
    %dma_start3A_255 = arith.constant 0 : i32
    %dma_start3A_256 = tpu.memref_slice %arg3[%squeeze3A_244, %dma_start3A_255] : memref<1000000x64xf32, #tpu.memory_space<hbm>> -> memref<1x64xf32, #tpu.memory_space<hbm>>
    %dma_start3A_257 = tpu.memref_squeeze %dma_start3A_256 : memref<1x64xf32, #tpu.memory_space<hbm>> -> memref<64xf32, #tpu.memory_space<hbm>>
    tpu.enqueue_dma source(%dma_start3A_257 : memref<64xf32, #tpu.memory_space<hbm>>) target(%dma_start3A_254 : memref<64xf32, #tpu.memory_space<vmem>>) target_semaphore(%arg7 : memref<!tpu.dma_semaphore, #tpu.memory_space<semaphore_mem>>)
    %slice3A_258 = vector.extract_strided_slice %get3A_242 {offsets = [1], sizes = [1], strides = [1]} : vector<16xi32> to vector<1xi32>
    %squeeze3A_259 = vector.extract %slice3A_258[0] : i32 from vector<1xi32>
    %dma_start3A_260 = arith.constant 17 : i32
    %dma_start3A_261 = arith.constant 0 : i32
    %dma_start3A_262 = tpu.memref_slice %arg6[%dma_start3A_260, %dma_start3A_261] : memref<512x128xf32, #tpu.memory_space<vmem>> -> memref<1x64xf32, #tpu.memory_space<vmem>>
    %dma_start3A_263 = tpu.memref_squeeze %dma_start3A_262 : memref<1x64xf32, #tpu.memory_space<vmem>> -> memref<64xf32, #tpu.memory_space<vmem>>
    %dma_start3A_264 = arith.constant 0 : i32
    %dma_start3A_265 = tpu.memref_slice %arg3[%squeeze3A_259, %dma_start3A_264] : memref<1000000x64xf32, #tpu.memory_space<hbm>> -> memref<1x64xf32, #tpu.memory_space<hbm>>
    %dma_start3A_266 = tpu.memref_squeeze %dma_start3A_265 : memref<1x64xf32, #tpu.memory_space<hbm>> -> memref<64xf32, #tpu.memory_space<hbm>>
    %dma_start3A_267 = arith.constant 0 : i32
    %dma_start3A_268 = tpu.memref_slice %arg6[%dma_start3A_260, %dma_start3A_267] : memref<512x128xf32, #tpu.memory_space<vmem>> -> memref<1x64xf32, #tpu.memory_space<vmem>>
    %dma_start3A_269 = tpu.memref_squeeze %dma_start3A_268 : memref<1x64xf32, #tpu.memory_space<vmem>> -> memref<64xf32, #tpu.memory_space<vmem>>
    %dma_start3A_270 = arith.constant 0 : i32
    %dma_start3A_271 = tpu.memref_slice %arg3[%squeeze3A_259, %dma_start3A_270] : memref<1000000x64xf32, #tpu.memory_space<hbm>> -> memref<1x64xf32, #tpu.memory_space<hbm>>
    %dma_start3A_272 = tpu.memref_squeeze %dma_start3A_271 : memref<1x64xf32, #tpu.memory_space<hbm>> -> memref<64xf32, #tpu.memory_space<hbm>>
    tpu.enqueue_dma source(%dma_start3A_272 : memref<64xf32, #tpu.memory_space<hbm>>) target(%dma_start3A_269 : memref<64xf32, #tpu.memory_space<vmem>>) target_semaphore(%arg7 : memref<!tpu.dma_semaphore, #tpu.memory_space<semaphore_mem>>)
    %slice3A_273 = vector.extract_strided_slice %get3A_242 {offsets = [2], sizes = [1], strides = [1]} : vector<16xi32> to vector<1xi32>
    %squeeze3A_274 = vector.extract %slice3A_273[0] : i32 from vector<1xi32>
    %dma_start3A_275 = arith.constant 18 : i32
    %dma_start3A_276 = arith.constant 0 : i32
    %dma_start3A_277 = tpu.memref_slice %arg6[%dma_start3A_275, %dma_start3A_276] : memref<512x128xf32, #tpu.memory_space<vmem>> -> memref<1x64xf32, #tpu.memory_space<vmem>>
    %dma_start3A_278 = tpu.memref_squeeze %dma_start3A_277 : memref<1x64xf32, #tpu.memory_space<vmem>> -> memref<64xf32, #tpu.memory_space<vmem>>
    %dma_start3A_279 = arith.constant 0 : i32
    %dma_start3A_280 = tpu.memref_slice %arg3[%squeeze3A_274, %dma_start3A_279] : memref<1000000x64xf32, #tpu.memory_space<hbm>> -> memref<1x64xf32, #tpu.memory_space<hbm>>
    %dma_start3A_281 = tpu.memref_squeeze %dma_start3A_280 : memref<1x64xf32, #tpu.memory_space<hbm>> -> memref<64xf32, #tpu.memory_space<hbm>>
    %dma_start3A_282 = arith.constant 0 : i32
    %dma_start3A_283 = tpu.memref_slice %arg6[%dma_start3A_275, %dma_start3A_282] : memref<512x128xf32, #tpu.memory_space<vmem>> -> memref<1x64xf32, #tpu.memory_space<vmem>>
    %dma_start3A_284 = tpu.memref_squeeze %dma_start3A_283 : memref<1x64xf32, #tpu.memory_space<vmem>> -> memref<64xf32, #tpu.memory_space<vmem>>
    %dma_start3A_285 = arith.constant 0 : i32
    %dma_start3A_286 = tpu.memref_slice %arg3[%squeeze3A_274, %dma_start3A_285] : memref<1000000x64xf32, #tpu.memory_space<hbm>> -> memref<1x64xf32, #tpu.memory_space<hbm>>
    %dma_start3A_287 = tpu.memref_squeeze %dma_start3A_286 : memref<1x64xf32, #tpu.memory_space<hbm>> -> memref<64xf32, #tpu.memory_space<hbm>>
    tpu.enqueue_dma source(%dma_start3A_287 : memref<64xf32, #tpu.memory_space<hbm>>) target(%dma_start3A_284 : memref<64xf32, #tpu.memory_space<vmem>>) target_semaphore(%arg7 : memref<!tpu.dma_semaphore, #tpu.memory_space<semaphore_mem>>)
    %slice3A_288 = vector.extract_strided_slice %get3A_242 {offsets = [3], sizes = [1], strides = [1]} : vector<16xi32> to vector<1xi32>
    %squeeze3A_289 = vector.extract %slice3A_288[0] : i32 from vector<1xi32>
    %dma_start3A_290 = arith.constant 19 : i32
    %dma_start3A_291 = arith.constant 0 : i32
    %dma_start3A_292 = tpu.memref_slice %arg6[%dma_start3A_290, %dma_start3A_291] : memref<512x128xf32, #tpu.memory_space<vmem>> -> memref<1x64xf32, #tpu.memory_space<vmem>>
    %dma_start3A_293 = tpu.memref_squeeze %dma_start3A_292 : memref<1x64xf32, #tpu.memory_space<vmem>> -> memref<64xf32, #tpu.memory_space<vmem>>
    %dma_start3A_294 = arith.constant 0 : i32
    %dma_start3A_295 = tpu.memref_slice %arg3[%squeeze3A_289, %dma_start3A_294] : memref<1000000x64xf32, #tpu.memory_space<hbm>> -> memref<1x64xf32, #tpu.memory_space<hbm>>
    %dma_start3A_296 = tpu.memref_squeeze %dma_start3A_295 : memref<1x64xf32, #tpu.memory_space<hbm>> -> memref<64xf32, #tpu.memory_space<hbm>>
    %dma_start3A_297 = arith.constant 0 : i32
    %dma_start3A_298 = tpu.memref_slice %arg6[%dma_start3A_290, %dma_start3A_297] : memref<512x128xf32, #tpu.memory_space<vmem>> -> memref<1x64xf32, #tpu.memory_space<vmem>>
    %dma_start3A_299 = tpu.memref_squeeze %dma_start3A_298 : memref<1x64xf32, #tpu.memory_space<vmem>> -> memref<64xf32, #tpu.memory_space<vmem>>
    %dma_start3A_300 = arith.constant 0 : i32
    %dma_start3A_301 = tpu.memref_slice %arg3[%squeeze3A_289, %dma_start3A_300] : memref<1000000x64xf32, #tpu.memory_space<hbm>> -> memref<1x64xf32, #tpu.memory_space<hbm>>
    %dma_start3A_302 = tpu.memref_squeeze %dma_start3A_301 : memref<1x64xf32, #tpu.memory_space<hbm>> -> memref<64xf32, #tpu.memory_space<hbm>>
    tpu.enqueue_dma source(%dma_start3A_302 : memref<64xf32, #tpu.memory_space<hbm>>) target(%dma_start3A_299 : memref<64xf32, #tpu.memory_space<vmem>>) target_semaphore(%arg7 : memref<!tpu.dma_semaphore, #tpu.memory_space<semaphore_mem>>)
    %slice3A_303 = vector.extract_strided_slice %get3A_242 {offsets = [4], sizes = [1], strides = [1]} : vector<16xi32> to vector<1xi32>
    %squeeze3A_304 = vector.extract %slice3A_303[0] : i32 from vector<1xi32>
    %dma_start3A_305 = arith.constant 20 : i32
    %dma_start3A_306 = arith.constant 0 : i32
    %dma_start3A_307 = tpu.memref_slice %arg6[%dma_start3A_305, %dma_start3A_306] : memref<512x128xf32, #tpu.memory_space<vmem>> -> memref<1x64xf32, #tpu.memory_space<vmem>>
    %dma_start3A_308 = tpu.memref_squeeze %dma_start3A_307 : memref<1x64xf32, #tpu.memory_space<vmem>> -> memref<64xf32, #tpu.memory_space<vmem>>
    %dma_start3A_309 = arith.constant 0 : i32
    %dma_start3A_310 = tpu.memref_slice %arg3[%squeeze3A_304, %dma_start3A_309] : memref<1000000x64xf32, #tpu.memory_space<hbm>> -> memref<1x64xf32, #tpu.memory_space<hbm>>
    %dma_start3A_311 = tpu.memref_squeeze %dma_start3A_310 : memref<1x64xf32, #tpu.memory_space<hbm>> -> memref<64xf32, #tpu.memory_space<hbm>>
    %dma_start3A_312 = arith.constant 0 : i32
    %dma_start3A_313 = tpu.memref_slice %arg6[%dma_start3A_305, %dma_start3A_312] : memref<512x128xf32, #tpu.memory_space<vmem>> -> memref<1x64xf32, #tpu.memory_space<vmem>>
    %dma_start3A_314 = tpu.memref_squeeze %dma_start3A_313 : memref<1x64xf32, #tpu.memory_space<vmem>> -> memref<64xf32, #tpu.memory_space<vmem>>
    %dma_start3A_315 = arith.constant 0 : i32
    %dma_start3A_316 = tpu.memref_slice %arg3[%squeeze3A_304, %dma_start3A_315] : memref<1000000x64xf32, #tpu.memory_space<hbm>> -> memref<1x64xf32, #tpu.memory_space<hbm>>
    %dma_start3A_317 = tpu.memref_squeeze %dma_start3A_316 : memref<1x64xf32, #tpu.memory_space<hbm>> -> memref<64xf32, #tpu.memory_space<hbm>>
    tpu.enqueue_dma source(%dma_start3A_317 : memref<64xf32, #tpu.memory_space<hbm>>) target(%dma_start3A_314 : memref<64xf32, #tpu.memory_space<vmem>>) target_semaphore(%arg7 : memref<!tpu.dma_semaphore, #tpu.memory_space<semaphore_mem>>)
    %slice3A_318 = vector.extract_strided_slice %get3A_242 {offsets = [5], sizes = [1], strides = [1]} : vector<16xi32> to vector<1xi32>
    %squeeze3A_319 = vector.extract %slice3A_318[0] : i32 from vector<1xi32>
    %dma_start3A_320 = arith.constant 21 : i32
    %dma_start3A_321 = arith.constant 0 : i32
    %dma_start3A_322 = tpu.memref_slice %arg6[%dma_start3A_320, %dma_start3A_321] : memref<512x128xf32, #tpu.memory_space<vmem>> -> memref<1x64xf32, #tpu.memory_space<vmem>>
    %dma_start3A_323 = tpu.memref_squeeze %dma_start3A_322 : memref<1x64xf32, #tpu.memory_space<vmem>> -> memref<64xf32, #tpu.memory_space<vmem>>
    %dma_start3A_324 = arith.constant 0 : i32
    %dma_start3A_325 = tpu.memref_slice %arg3[%squeeze3A_319, %dma_start3A_324] : memref<1000000x64xf32, #tpu.memory_space<hbm>> -> memref<1x64xf32, #tpu.memory_space<hbm>>
    %dma_start3A_326 = tpu.memref_squeeze %dma_start3A_325 : memref<1x64xf32, #tpu.memory_space<hbm>> -> memref<64xf32, #tpu.memory_space<hbm>>
    %dma_start3A_327 = arith.constant 0 : i32
    %dma_start3A_328 = tpu.memref_slice %arg6[%dma_start3A_320, %dma_start3A_327] : memref<512x128xf32, #tpu.memory_space<vmem>> -> memref<1x64xf32, #tpu.memory_space<vmem>>
    %dma_start3A_329 = tpu.memref_squeeze %dma_start3A_328 : memref<1x64xf32, #tpu.memory_space<vmem>> -> memref<64xf32, #tpu.memory_space<vmem>>
    %dma_start3A_330 = arith.constant 0 : i32
    %dma_start3A_331 = tpu.memref_slice %arg3[%squeeze3A_319, %dma_start3A_330] : memref<1000000x64xf32, #tpu.memory_space<hbm>> -> memref<1x64xf32, #tpu.memory_space<hbm>>
    %dma_start3A_332 = tpu.memref_squeeze %dma_start3A_331 : memref<1x64xf32, #tpu.memory_space<hbm>> -> memref<64xf32, #tpu.memory_space<hbm>>
    tpu.enqueue_dma source(%dma_start3A_332 : memref<64xf32, #tpu.memory_space<hbm>>) target(%dma_start3A_329 : memref<64xf32, #tpu.memory_space<vmem>>) target_semaphore(%arg7 : memref<!tpu.dma_semaphore, #tpu.memory_space<semaphore_mem>>)
    %slice3A_333 = vector.extract_strided_slice %get3A_242 {offsets = [6], sizes = [1], strides = [1]} : vector<16xi32> to vector<1xi32>
    %squeeze3A_334 = vector.extract %slice3A_333[0] : i32 from vector<1xi32>
    %dma_start3A_335 = arith.constant 22 : i32
    %dma_start3A_336 = arith.constant 0 : i32
    %dma_start3A_337 = tpu.memref_slice %arg6[%dma_start3A_335, %dma_start3A_336] : memref<512x128xf32, #tpu.memory_space<vmem>> -> memref<1x64xf32, #tpu.memory_space<vmem>>
    %dma_start3A_338 = tpu.memref_squeeze %dma_start3A_337 : memref<1x64xf32, #tpu.memory_space<vmem>> -> memref<64xf32, #tpu.memory_space<vmem>>
    %dma_start3A_339 = arith.constant 0 : i32
    %dma_start3A_340 = tpu.memref_slice %arg3[%squeeze3A_334, %dma_start3A_339] : memref<1000000x64xf32, #tpu.memory_space<hbm>> -> memref<1x64xf32, #tpu.memory_space<hbm>>
    %dma_start3A_341 = tpu.memref_squeeze %dma_start3A_340 : memref<1x64xf32, #tpu.memory_space<hbm>> -> memref<64xf32, #tpu.memory_space<hbm>>
    %dma_start3A_342 = arith.constant 0 : i32
    %dma_start3A_343 = tpu.memref_slice %arg6[%dma_start3A_335, %dma_start3A_342] : memref<512x128xf32, #tpu.memory_space<vmem>> -> memref<1x64xf32, #tpu.memory_space<vmem>>
    %dma_start3A_344 = tpu.memref_squeeze %dma_start3A_343 : memref<1x64xf32, #tpu.memory_space<vmem>> -> memref<64xf32, #tpu.memory_space<vmem>>
    %dma_start3A_345 = arith.constant 0 : i32
    %dma_start3A_346 = tpu.memref_slice %arg3[%squeeze3A_334, %dma_start3A_345] : memref<1000000x64xf32, #tpu.memory_space<hbm>> -> memref<1x64xf32, #tpu.memory_space<hbm>>
    %dma_start3A_347 = tpu.memref_squeeze %dma_start3A_346 : memref<1x64xf32, #tpu.memory_space<hbm>> -> memref<64xf32, #tpu.memory_space<hbm>>
    tpu.enqueue_dma source(%dma_start3A_347 : memref<64xf32, #tpu.memory_space<hbm>>) target(%dma_start3A_344 : memref<64xf32, #tpu.memory_space<vmem>>) target_semaphore(%arg7 : memref<!tpu.dma_semaphore, #tpu.memory_space<semaphore_mem>>)
    %slice3A_348 = vector.extract_strided_slice %get3A_242 {offsets = [7], sizes = [1], strides = [1]} : vector<16xi32> to vector<1xi32>
    %squeeze3A_349 = vector.extract %slice3A_348[0] : i32 from vector<1xi32>
    %dma_start3A_350 = arith.constant 23 : i32
    %dma_start3A_351 = arith.constant 0 : i32
    %dma_start3A_352 = tpu.memref_slice %arg6[%dma_start3A_350, %dma_start3A_351] : memref<512x128xf32, #tpu.memory_space<vmem>> -> memref<1x64xf32, #tpu.memory_space<vmem>>
    %dma_start3A_353 = tpu.memref_squeeze %dma_start3A_352 : memref<1x64xf32, #tpu.memory_space<vmem>> -> memref<64xf32, #tpu.memory_space<vmem>>
    %dma_start3A_354 = arith.constant 0 : i32
    %dma_start3A_355 = tpu.memref_slice %arg3[%squeeze3A_349, %dma_start3A_354] : memref<1000000x64xf32, #tpu.memory_space<hbm>> -> memref<1x64xf32, #tpu.memory_space<hbm>>
    %dma_start3A_356 = tpu.memref_squeeze %dma_start3A_355 : memref<1x64xf32, #tpu.memory_space<hbm>> -> memref<64xf32, #tpu.memory_space<hbm>>
    %dma_start3A_357 = arith.constant 0 : i32
    %dma_start3A_358 = tpu.memref_slice %arg6[%dma_start3A_350, %dma_start3A_357] : memref<512x128xf32, #tpu.memory_space<vmem>> -> memref<1x64xf32, #tpu.memory_space<vmem>>
    %dma_start3A_359 = tpu.memref_squeeze %dma_start3A_358 : memref<1x64xf32, #tpu.memory_space<vmem>> -> memref<64xf32, #tpu.memory_space<vmem>>
    %dma_start3A_360 = arith.constant 0 : i32
    %dma_start3A_361 = tpu.memref_slice %arg3[%squeeze3A_349, %dma_start3A_360] : memref<1000000x64xf32, #tpu.memory_space<hbm>> -> memref<1x64xf32, #tpu.memory_space<hbm>>
    %dma_start3A_362 = tpu.memref_squeeze %dma_start3A_361 : memref<1x64xf32, #tpu.memory_space<hbm>> -> memref<64xf32, #tpu.memory_space<hbm>>
    tpu.enqueue_dma source(%dma_start3A_362 : memref<64xf32, #tpu.memory_space<hbm>>) target(%dma_start3A_359 : memref<64xf32, #tpu.memory_space<vmem>>) target_semaphore(%arg7 : memref<!tpu.dma_semaphore, #tpu.memory_space<semaphore_mem>>)
    %slice3A_363 = vector.extract_strided_slice %get3A_242 {offsets = [8], sizes = [1], strides = [1]} : vector<16xi32> to vector<1xi32>
    %squeeze3A_364 = vector.extract %slice3A_363[0] : i32 from vector<1xi32>
    %dma_start3A_365 = arith.constant 24 : i32
    %dma_start3A_366 = arith.constant 0 : i32
    %dma_start3A_367 = tpu.memref_slice %arg6[%dma_start3A_365, %dma_start3A_366] : memref<512x128xf32, #tpu.memory_space<vmem>> -> memref<1x64xf32, #tpu.memory_space<vmem>>
    %dma_start3A_368 = tpu.memref_squeeze %dma_start3A_367 : memref<1x64xf32, #tpu.memory_space<vmem>> -> memref<64xf32, #tpu.memory_space<vmem>>
    %dma_start3A_369 = arith.constant 0 : i32
    %dma_start3A_370 = tpu.memref_slice %arg3[%squeeze3A_364, %dma_start3A_369] : memref<1000000x64xf32, #tpu.memory_space<hbm>> -> memref<1x64xf32, #tpu.memory_space<hbm>>
    %dma_start3A_371 = tpu.memref_squeeze %dma_start3A_370 : memref<1x64xf32, #tpu.memory_space<hbm>> -> memref<64xf32, #tpu.memory_space<hbm>>
    %dma_start3A_372 = arith.constant 0 : i32
    %dma_start3A_373 = tpu.memref_slice %arg6[%dma_start3A_365, %dma_start3A_372] : memref<512x128xf32, #tpu.memory_space<vmem>> -> memref<1x64xf32, #tpu.memory_space<vmem>>
    %dma_start3A_374 = tpu.memref_squeeze %dma_start3A_373 : memref<1x64xf32, #tpu.memory_space<vmem>> -> memref<64xf32, #tpu.memory_space<vmem>>
    %dma_start3A_375 = arith.constant 0 : i32
    %dma_start3A_376 = tpu.memref_slice %arg3[%squeeze3A_364, %dma_start3A_375] : memref<1000000x64xf32, #tpu.memory_space<hbm>> -> memref<1x64xf32, #tpu.memory_space<hbm>>
    %dma_start3A_377 = tpu.memref_squeeze %dma_start3A_376 : memref<1x64xf32, #tpu.memory_space<hbm>> -> memref<64xf32, #tpu.memory_space<hbm>>
    tpu.enqueue_dma source(%dma_start3A_377 : memref<64xf32, #tpu.memory_space<hbm>>) target(%dma_start3A_374 : memref<64xf32, #tpu.memory_space<vmem>>) target_semaphore(%arg7 : memref<!tpu.dma_semaphore, #tpu.memory_space<semaphore_mem>>)
    %slice3A_378 = vector.extract_strided_slice %get3A_242 {offsets = [9], sizes = [1], strides = [1]} : vector<16xi32> to vector<1xi32>
    %squeeze3A_379 = vector.extract %slice3A_378[0] : i32 from vector<1xi32>
    %dma_start3A_380 = arith.constant 25 : i32
    %dma_start3A_381 = arith.constant 0 : i32
    %dma_start3A_382 = tpu.memref_slice %arg6[%dma_start3A_380, %dma_start3A_381] : memref<512x128xf32, #tpu.memory_space<vmem>> -> memref<1x64xf32, #tpu.memory_space<vmem>>
    %dma_start3A_383 = tpu.memref_squeeze %dma_start3A_382 : memref<1x64xf32, #tpu.memory_space<vmem>> -> memref<64xf32, #tpu.memory_space<vmem>>
    %dma_start3A_384 = arith.constant 0 : i32
    %dma_start3A_385 = tpu.memref_slice %arg3[%squeeze3A_379, %dma_start3A_384] : memref<1000000x64xf32, #tpu.memory_space<hbm>> -> memref<1x64xf32, #tpu.memory_space<hbm>>
    %dma_start3A_386 = tpu.memref_squeeze %dma_start3A_385 : memref<1x64xf32, #tpu.memory_space<hbm>> -> memref<64xf32, #tpu.memory_space<hbm>>
    %dma_start3A_387 = arith.constant 0 : i32
    %dma_start3A_388 = tpu.memref_slice %arg6[%dma_start3A_380, %dma_start3A_387] : memref<512x128xf32, #tpu.memory_space<vmem>> -> memref<1x64xf32, #tpu.memory_space<vmem>>
    %dma_start3A_389 = tpu.memref_squeeze %dma_start3A_388 : memref<1x64xf32, #tpu.memory_space<vmem>> -> memref<64xf32, #tpu.memory_space<vmem>>
    %dma_start3A_390 = arith.constant 0 : i32
    %dma_start3A_391 = tpu.memref_slice %arg3[%squeeze3A_379, %dma_start3A_390] : memref<1000000x64xf32, #tpu.memory_space<hbm>> -> memref<1x64xf32, #tpu.memory_space<hbm>>
    %dma_start3A_392 = tpu.memref_squeeze %dma_start3A_391 : memref<1x64xf32, #tpu.memory_space<hbm>> -> memref<64xf32, #tpu.memory_space<hbm>>
    tpu.enqueue_dma source(%dma_start3A_392 : memref<64xf32, #tpu.memory_space<hbm>>) target(%dma_start3A_389 : memref<64xf32, #tpu.memory_space<vmem>>) target_semaphore(%arg7 : memref<!tpu.dma_semaphore, #tpu.memory_space<semaphore_mem>>)
    %slice3A_393 = vector.extract_strided_slice %get3A_242 {offsets = [10], sizes = [1], strides = [1]} : vector<16xi32> to vector<1xi32>
    %squeeze3A_394 = vector.extract %slice3A_393[0] : i32 from vector<1xi32>
    %dma_start3A_395 = arith.constant 26 : i32
    %dma_start3A_396 = arith.constant 0 : i32
    %dma_start3A_397 = tpu.memref_slice %arg6[%dma_start3A_395, %dma_start3A_396] : memref<512x128xf32, #tpu.memory_space<vmem>> -> memref<1x64xf32, #tpu.memory_space<vmem>>
    %dma_start3A_398 = tpu.memref_squeeze %dma_start3A_397 : memref<1x64xf32, #tpu.memory_space<vmem>> -> memref<64xf32, #tpu.memory_space<vmem>>
    %dma_start3A_399 = arith.constant 0 : i32
    %dma_start3A_400 = tpu.memref_slice %arg3[%squeeze3A_394, %dma_start3A_399] : memref<1000000x64xf32, #tpu.memory_space<hbm>> -> memref<1x64xf32, #tpu.memory_space<hbm>>
    %dma_start3A_401 = tpu.memref_squeeze %dma_start3A_400 : memref<1x64xf32, #tpu.memory_space<hbm>> -> memref<64xf32, #tpu.memory_space<hbm>>
    %dma_start3A_402 = arith.constant 0 : i32
    %dma_start3A_403 = tpu.memref_slice %arg6[%dma_start3A_395, %dma_start3A_402] : memref<512x128xf32, #tpu.memory_space<vmem>> -> memref<1x64xf32, #tpu.memory_space<vmem>>
    %dma_start3A_404 = tpu.memref_squeeze %dma_start3A_403 : memref<1x64xf32, #tpu.memory_space<vmem>> -> memref<64xf32, #tpu.memory_space<vmem>>
    %dma_start3A_405 = arith.constant 0 : i32
    %dma_start3A_406 = tpu.memref_slice %arg3[%squeeze3A_394, %dma_start3A_405] : memref<1000000x64xf32, #tpu.memory_space<hbm>> -> memref<1x64xf32, #tpu.memory_space<hbm>>
    %dma_start3A_407 = tpu.memref_squeeze %dma_start3A_406 : memref<1x64xf32, #tpu.memory_space<hbm>> -> memref<64xf32, #tpu.memory_space<hbm>>
    tpu.enqueue_dma source(%dma_start3A_407 : memref<64xf32, #tpu.memory_space<hbm>>) target(%dma_start3A_404 : memref<64xf32, #tpu.memory_space<vmem>>) target_semaphore(%arg7 : memref<!tpu.dma_semaphore, #tpu.memory_space<semaphore_mem>>)
    %slice3A_408 = vector.extract_strided_slice %get3A_242 {offsets = [11], sizes = [1], strides = [1]} : vector<16xi32> to vector<1xi32>
    %squeeze3A_409 = vector.extract %slice3A_408[0] : i32 from vector<1xi32>
    %dma_start3A_410 = arith.constant 27 : i32
    %dma_start3A_411 = arith.constant 0 : i32
    %dma_start3A_412 = tpu.memref_slice %arg6[%dma_start3A_410, %dma_start3A_411] : memref<512x128xf32, #tpu.memory_space<vmem>> -> memref<1x64xf32, #tpu.memory_space<vmem>>
    %dma_start3A_413 = tpu.memref_squeeze %dma_start3A_412 : memref<1x64xf32, #tpu.memory_space<vmem>> -> memref<64xf32, #tpu.memory_space<vmem>>
    %dma_start3A_414 = arith.constant 0 : i32
    %dma_start3A_415 = tpu.memref_slice %arg3[%squeeze3A_409, %dma_start3A_414] : memref<1000000x64xf32, #tpu.memory_space<hbm>> -> memref<1x64xf32, #tpu.memory_space<hbm>>
    %dma_start3A_416 = tpu.memref_squeeze %dma_start3A_415 : memref<1x64xf32, #tpu.memory_space<hbm>> -> memref<64xf32, #tpu.memory_space<hbm>>
    %dma_start3A_417 = arith.constant 0 : i32
    %dma_start3A_418 = tpu.memref_slice %arg6[%dma_start3A_410, %dma_start3A_417] : memref<512x128xf32, #tpu.memory_space<vmem>> -> memref<1x64xf32, #tpu.memory_space<vmem>>
    %dma_start3A_419 = tpu.memref_squeeze %dma_start3A_418 : memref<1x64xf32, #tpu.memory_space<vmem>> -> memref<64xf32, #tpu.memory_space<vmem>>
    %dma_start3A_420 = arith.constant 0 : i32
    %dma_start3A_421 = tpu.memref_slice %arg3[%squeeze3A_409, %dma_start3A_420] : memref<1000000x64xf32, #tpu.memory_space<hbm>> -> memref<1x64xf32, #tpu.memory_space<hbm>>
    %dma_start3A_422 = tpu.memref_squeeze %dma_start3A_421 : memref<1x64xf32, #tpu.memory_space<hbm>> -> memref<64xf32, #tpu.memory_space<hbm>>
    tpu.enqueue_dma source(%dma_start3A_422 : memref<64xf32, #tpu.memory_space<hbm>>) target(%dma_start3A_419 : memref<64xf32, #tpu.memory_space<vmem>>) target_semaphore(%arg7 : memref<!tpu.dma_semaphore, #tpu.memory_space<semaphore_mem>>)
    %slice3A_423 = vector.extract_strided_slice %get3A_242 {offsets = [12], sizes = [1], strides = [1]} : vector<16xi32> to vector<1xi32>
    %squeeze3A_424 = vector.extract %slice3A_423[0] : i32 from vector<1xi32>
    %dma_start3A_425 = arith.constant 28 : i32
    %dma_start3A_426 = arith.constant 0 : i32
    %dma_start3A_427 = tpu.memref_slice %arg6[%dma_start3A_425, %dma_start3A_426] : memref<512x128xf32, #tpu.memory_space<vmem>> -> memref<1x64xf32, #tpu.memory_space<vmem>>
    %dma_start3A_428 = tpu.memref_squeeze %dma_start3A_427 : memref<1x64xf32, #tpu.memory_space<vmem>> -> memref<64xf32, #tpu.memory_space<vmem>>
    %dma_start3A_429 = arith.constant 0 : i32
    %dma_start3A_430 = tpu.memref_slice %arg3[%squeeze3A_424, %dma_start3A_429] : memref<1000000x64xf32, #tpu.memory_space<hbm>> -> memref<1x64xf32, #tpu.memory_space<hbm>>
    %dma_start3A_431 = tpu.memref_squeeze %dma_start3A_430 : memref<1x64xf32, #tpu.memory_space<hbm>> -> memref<64xf32, #tpu.memory_space<hbm>>
    %dma_start3A_432 = arith.constant 0 : i32
    %dma_start3A_433 = tpu.memref_slice %arg6[%dma_start3A_425, %dma_start3A_432] : memref<512x128xf32, #tpu.memory_space<vmem>> -> memref<1x64xf32, #tpu.memory_space<vmem>>
    %dma_start3A_434 = tpu.memref_squeeze %dma_start3A_433 : memref<1x64xf32, #tpu.memory_space<vmem>> -> memref<64xf32, #tpu.memory_space<vmem>>
    %dma_start3A_435 = arith.constant 0 : i32
    %dma_start3A_436 = tpu.memref_slice %arg3[%squeeze3A_424, %dma_start3A_435] : memref<1000000x64xf32, #tpu.memory_space<hbm>> -> memref<1x64xf32, #tpu.memory_space<hbm>>
    %dma_start3A_437 = tpu.memref_squeeze %dma_start3A_436 : memref<1x64xf32, #tpu.memory_space<hbm>> -> memref<64xf32, #tpu.memory_space<hbm>>
    tpu.enqueue_dma source(%dma_start3A_437 : memref<64xf32, #tpu.memory_space<hbm>>) target(%dma_start3A_434 : memref<64xf32, #tpu.memory_space<vmem>>) target_semaphore(%arg7 : memref<!tpu.dma_semaphore, #tpu.memory_space<semaphore_mem>>)
    %slice3A_438 = vector.extract_strided_slice %get3A_242 {offsets = [13], sizes = [1], strides = [1]} : vector<16xi32> to vector<1xi32>
    %squeeze3A_439 = vector.extract %slice3A_438[0] : i32 from vector<1xi32>
    %dma_start3A_440 = arith.constant 29 : i32
    %dma_start3A_441 = arith.constant 0 : i32
    %dma_start3A_442 = tpu.memref_slice %arg6[%dma_start3A_440, %dma_start3A_441] : memref<512x128xf32, #tpu.memory_space<vmem>> -> memref<1x64xf32, #tpu.memory_space<vmem>>
    %dma_start3A_443 = tpu.memref_squeeze %dma_start3A_442 : memref<1x64xf32, #tpu.memory_space<vmem>> -> memref<64xf32, #tpu.memory_space<vmem>>
    %dma_start3A_444 = arith.constant 0 : i32
    %dma_start3A_445 = tpu.memref_slice %arg3[%squeeze3A_439, %dma_start3A_444] : memref<1000000x64xf32, #tpu.memory_space<hbm>> -> memref<1x64xf32, #tpu.memory_space<hbm>>
    %dma_start3A_446 = tpu.memref_squeeze %dma_start3A_445 : memref<1x64xf32, #tpu.memory_space<hbm>> -> memref<64xf32, #tpu.memory_space<hbm>>
    %dma_start3A_447 = arith.constant 0 : i32
    %dma_start3A_448 = tpu.memref_slice %arg6[%dma_start3A_440, %dma_start3A_447] : memref<512x128xf32, #tpu.memory_space<vmem>> -> memref<1x64xf32, #tpu.memory_space<vmem>>
    %dma_start3A_449 = tpu.memref_squeeze %dma_start3A_448 : memref<1x64xf32, #tpu.memory_space<vmem>> -> memref<64xf32, #tpu.memory_space<vmem>>
    %dma_start3A_450 = arith.constant 0 : i32
    %dma_start3A_451 = tpu.memref_slice %arg3[%squeeze3A_439, %dma_start3A_450] : memref<1000000x64xf32, #tpu.memory_space<hbm>> -> memref<1x64xf32, #tpu.memory_space<hbm>>
    %dma_start3A_452 = tpu.memref_squeeze %dma_start3A_451 : memref<1x64xf32, #tpu.memory_space<hbm>> -> memref<64xf32, #tpu.memory_space<hbm>>
    tpu.enqueue_dma source(%dma_start3A_452 : memref<64xf32, #tpu.memory_space<hbm>>) target(%dma_start3A_449 : memref<64xf32, #tpu.memory_space<vmem>>) target_semaphore(%arg7 : memref<!tpu.dma_semaphore, #tpu.memory_space<semaphore_mem>>)
    %slice3A_453 = vector.extract_strided_slice %get3A_242 {offsets = [14], sizes = [1], strides = [1]} : vector<16xi32> to vector<1xi32>
    %squeeze3A_454 = vector.extract %slice3A_453[0] : i32 from vector<1xi32>
    %dma_start3A_455 = arith.constant 30 : i32
    %dma_start3A_456 = arith.constant 0 : i32
    %dma_start3A_457 = tpu.memref_slice %arg6[%dma_start3A_455, %dma_start3A_456] : memref<512x128xf32, #tpu.memory_space<vmem>> -> memref<1x64xf32, #tpu.memory_space<vmem>>
    %dma_start3A_458 = tpu.memref_squeeze %dma_start3A_457 : memref<1x64xf32, #tpu.memory_space<vmem>> -> memref<64xf32, #tpu.memory_space<vmem>>
    %dma_start3A_459 = arith.constant 0 : i32
    %dma_start3A_460 = tpu.memref_slice %arg3[%squeeze3A_454, %dma_start3A_459] : memref<1000000x64xf32, #tpu.memory_space<hbm>> -> memref<1x64xf32, #tpu.memory_space<hbm>>
    %dma_start3A_461 = tpu.memref_squeeze %dma_start3A_460 : memref<1x64xf32, #tpu.memory_space<hbm>> -> memref<64xf32, #tpu.memory_space<hbm>>
    %dma_start3A_462 = arith.constant 0 : i32
    %dma_start3A_463 = tpu.memref_slice %arg6[%dma_start3A_455, %dma_start3A_462] : memref<512x128xf32, #tpu.memory_space<vmem>> -> memref<1x64xf32, #tpu.memory_space<vmem>>
    %dma_start3A_464 = tpu.memref_squeeze %dma_start3A_463 : memref<1x64xf32, #tpu.memory_space<vmem>> -> memref<64xf32, #tpu.memory_space<vmem>>
    %dma_start3A_465 = arith.constant 0 : i32
    %dma_start3A_466 = tpu.memref_slice %arg3[%squeeze3A_454, %dma_start3A_465] : memref<1000000x64xf32, #tpu.memory_space<hbm>> -> memref<1x64xf32, #tpu.memory_space<hbm>>
    %dma_start3A_467 = tpu.memref_squeeze %dma_start3A_466 : memref<1x64xf32, #tpu.memory_space<hbm>> -> memref<64xf32, #tpu.memory_space<hbm>>
    tpu.enqueue_dma source(%dma_start3A_467 : memref<64xf32, #tpu.memory_space<hbm>>) target(%dma_start3A_464 : memref<64xf32, #tpu.memory_space<vmem>>) target_semaphore(%arg7 : memref<!tpu.dma_semaphore, #tpu.memory_space<semaphore_mem>>)
    %slice3A_468 = vector.extract_strided_slice %get3A_242 {offsets = [15], sizes = [1], strides = [1]} : vector<16xi32> to vector<1xi32>
    %squeeze3A_469 = vector.extract %slice3A_468[0] : i32 from vector<1xi32>
    %dma_start3A_470 = arith.constant 31 : i32
    %dma_start3A_471 = arith.constant 0 : i32
    %dma_start3A_472 = tpu.memref_slice %arg6[%dma_start3A_470, %dma_start3A_471] : memref<512x128xf32, #tpu.memory_space<vmem>> -> memref<1x64xf32, #tpu.memory_space<vmem>>
    %dma_start3A_473 = tpu.memref_squeeze %dma_start3A_472 : memref<1x64xf32, #tpu.memory_space<vmem>> -> memref<64xf32, #tpu.memory_space<vmem>>
    %dma_start3A_474 = arith.constant 0 : i32
    %dma_start3A_475 = tpu.memref_slice %arg3[%squeeze3A_469, %dma_start3A_474] : memref<1000000x64xf32, #tpu.memory_space<hbm>> -> memref<1x64xf32, #tpu.memory_space<hbm>>
    %dma_start3A_476 = tpu.memref_squeeze %dma_start3A_475 : memref<1x64xf32, #tpu.memory_space<hbm>> -> memref<64xf32, #tpu.memory_space<hbm>>
    %dma_start3A_477 = arith.constant 0 : i32
    %dma_start3A_478 = tpu.memref_slice %arg6[%dma_start3A_470, %dma_start3A_477] : memref<512x128xf32, #tpu.memory_space<vmem>> -> memref<1x64xf32, #tpu.memory_space<vmem>>
    %dma_start3A_479 = tpu.memref_squeeze %dma_start3A_478 : memref<1x64xf32, #tpu.memory_space<vmem>> -> memref<64xf32, #tpu.memory_space<vmem>>
    %dma_start3A_480 = arith.constant 0 : i32
    %dma_start3A_481 = tpu.memref_slice %arg3[%squeeze3A_469, %dma_start3A_480] : memref<1000000x64xf32, #tpu.memory_space<hbm>> -> memref<1x64xf32, #tpu.memory_space<hbm>>
    %dma_start3A_482 = tpu.memref_squeeze %dma_start3A_481 : memref<1x64xf32, #tpu.memory_space<hbm>> -> memref<64xf32, #tpu.memory_space<hbm>>
    tpu.enqueue_dma source(%dma_start3A_482 : memref<64xf32, #tpu.memory_space<hbm>>) target(%dma_start3A_479 : memref<64xf32, #tpu.memory_space<vmem>>) target_semaphore(%arg7 : memref<!tpu.dma_semaphore, #tpu.memory_space<semaphore_mem>>)
    %scan3A = arith.constant 0 : i32
    %scan3A_483 = arith.constant 0 : i32
    %scan3A_484 = arith.constant 32 : i32
    %scan3A_485 = arith.addi %scan3A_483, %scan3A_484 : i32
    %scan3A_486 = arith.constant 1 : i32
    scf.for %scan3A_488 = %scan3A_483 to %scan3A_485 step %scan3A_486  : i32 {
      %add3A_489 = arith.constant 2 : i32
      %add3A_490 = arith.addi %scan3A_488, %add3A_489 : i32
      %lt3A = arith.constant 32 : i32
      %lt3A_491 = arith.cmpi slt, %add3A_490, %lt3A : i32
      %convert_element_type3A = arith.extui %lt3A_491 : i1 to i32
      %cond3A = arith.constant 0 : i32
      %cond3A_492 = arith.cmpi ne, %convert_element_type3A, %cond3A : i32
      scf.if %cond3A_492 {
        %add3A_716 = arith.constant 2 : i32
        %add3A_717 = arith.addi %scan3A_488, %add3A_716 : i32
        %mul3A_718 = arith.constant 16 : i32
        %mul3A_719 = arith.muli %add3A_717, %mul3A_718 : i32
        %get3A_720 = arith.index_cast %mul3A_719 : i32 to index
        %get3A_721 = tpu.vector_load %arg5[%get3A_720] {strides = array<i32>} : memref<512xi32, #tpu.memory_space<vmem>>, vector<16xi32>,
        %slice3A_722 = vector.extract_strided_slice %get3A_721 {offsets = [0], sizes = [1], strides = [1]} : vector<16xi32> to vector<1xi32>
        %squeeze3A_723 = vector.extract %slice3A_722[0] : i32 from vector<1xi32>
        %mul3A_724 = arith.constant 16 : i32
        %mul3A_725 = arith.muli %add3A_717, %mul3A_724 : i32
        %add3A_726 = arith.constant 0 : i32
        %add3A_727 = arith.addi %mul3A_725, %add3A_726 : i32
        %dma_start3A_728 = arith.constant 0 : i32
        %dma_start3A_729 = tpu.memref_slice %arg6[%add3A_727, %dma_start3A_728] : memref<512x128xf32, #tpu.memory_space<vmem>> -> memref<1x64xf32, #tpu.memory_space<vmem>>
        %dma_start3A_730 = tpu.memref_squeeze %dma_start3A_729 : memref<1x64xf32, #tpu.memory_space<vmem>> -> memref<64xf32, #tpu.memory_space<vmem>>
        %dma_start3A_731 = arith.constant 0 : i32
        %dma_start3A_732 = tpu.memref_slice %arg3[%squeeze3A_723, %dma_start3A_731] : memref<1000000x64xf32, #tpu.memory_space<hbm>> -> memref<1x64xf32, #tpu.memory_space<hbm>>
        %dma_start3A_733 = tpu.memref_squeeze %dma_start3A_732 : memref<1x64xf32, #tpu.memory_space<hbm>> -> memref<64xf32, #tpu.memory_space<hbm>>
        %dma_start3A_734 = arith.constant 0 : i32
        %dma_start3A_735 = tpu.memref_slice %arg6[%add3A_727, %dma_start3A_734] : memref<512x128xf32, #tpu.memory_space<vmem>> -> memref<1x64xf32, #tpu.memory_space<vmem>>
        %dma_start3A_736 = tpu.memref_squeeze %dma_start3A_735 : memref<1x64xf32, #tpu.memory_space<vmem>> -> memref<64xf32, #tpu.memory_space<vmem>>
        %dma_start3A_737 = arith.constant 0 : i32
        %dma_start3A_738 = tpu.memref_slice %arg3[%squeeze3A_723, %dma_start3A_737] : memref<1000000x64xf32, #tpu.memory_space<hbm>> -> memref<1x64xf32, #tpu.memory_space<hbm>>
        %dma_start3A_739 = tpu.memref_squeeze %dma_start3A_738 : memref<1x64xf32, #tpu.memory_space<hbm>> -> memref<64xf32, #tpu.memory_space<hbm>>
        tpu.enqueue_dma source(%dma_start3A_739 : memref<64xf32, #tpu.memory_space<hbm>>) target(%dma_start3A_736 : memref<64xf32, #tpu.memory_space<vmem>>) target_semaphore(%arg7 : memref<!tpu.dma_semaphore, #tpu.memory_space<semaphore_mem>>)
        %slice3A_740 = vector.extract_strided_slice %get3A_721 {offsets = [1], sizes = [1], strides = [1]} : vector<16xi32> to vector<1xi32>
        %squeeze3A_741 = vector.extract %slice3A_740[0] : i32 from vector<1xi32>
        %mul3A_742 = arith.constant 16 : i32
        %mul3A_743 = arith.muli %add3A_717, %mul3A_742 : i32
        %add3A_744 = arith.constant 1 : i32
        %add3A_745 = arith.addi %mul3A_743, %add3A_744 : i32
        %dma_start3A_746 = arith.constant 0 : i32
        %dma_start3A_747 = tpu.memref_slice %arg6[%add3A_745, %dma_start3A_746] : memref<512x128xf32, #tpu.memory_space<vmem>> -> memref<1x64xf32, #tpu.memory_space<vmem>>
        %dma_start3A_748 = tpu.memref_squeeze %dma_start3A_747 : memref<1x64xf32, #tpu.memory_space<vmem>> -> memref<64xf32, #tpu.memory_space<vmem>>
        %dma_start3A_749 = arith.constant 0 : i32
        %dma_start3A_750 = tpu.memref_slice %arg3[%squeeze3A_741, %dma_start3A_749] : memref<1000000x64xf32, #tpu.memory_space<hbm>> -> memref<1x64xf32, #tpu.memory_space<hbm>>
        %dma_start3A_751 = tpu.memref_squeeze %dma_start3A_750 : memref<1x64xf32, #tpu.memory_space<hbm>> -> memref<64xf32, #tpu.memory_space<hbm>>
        %dma_start3A_752 = arith.constant 0 : i32
        %dma_start3A_753 = tpu.memref_slice %arg6[%add3A_745, %dma_start3A_752] : memref<512x128xf32, #tpu.memory_space<vmem>> -> memref<1x64xf32, #tpu.memory_space<vmem>>
        %dma_start3A_754 = tpu.memref_squeeze %dma_start3A_753 : memref<1x64xf32, #tpu.memory_space<vmem>> -> memref<64xf32, #tpu.memory_space<vmem>>
        %dma_start3A_755 = arith.constant 0 : i32
        %dma_start3A_756 = tpu.memref_slice %arg3[%squeeze3A_741, %dma_start3A_755] : memref<1000000x64xf32, #tpu.memory_space<hbm>> -> memref<1x64xf32, #tpu.memory_space<hbm>>
        %dma_start3A_757 = tpu.memref_squeeze %dma_start3A_756 : memref<1x64xf32, #tpu.memory_space<hbm>> -> memref<64xf32, #tpu.memory_space<hbm>>
        tpu.enqueue_dma source(%dma_start3A_757 : memref<64xf32, #tpu.memory_space<hbm>>) target(%dma_start3A_754 : memref<64xf32, #tpu.memory_space<vmem>>) target_semaphore(%arg7 : memref<!tpu.dma_semaphore, #tpu.memory_space<semaphore_mem>>)
        %slice3A_758 = vector.extract_strided_slice %get3A_721 {offsets = [2], sizes = [1], strides = [1]} : vector<16xi32> to vector<1xi32>
        %squeeze3A_759 = vector.extract %slice3A_758[0] : i32 from vector<1xi32>
        %mul3A_760 = arith.constant 16 : i32
        %mul3A_761 = arith.muli %add3A_717, %mul3A_760 : i32
        %add3A_762 = arith.constant 2 : i32
        %add3A_763 = arith.addi %mul3A_761, %add3A_762 : i32
        %dma_start3A_764 = arith.constant 0 : i32
        %dma_start3A_765 = tpu.memref_slice %arg6[%add3A_763, %dma_start3A_764] : memref<512x128xf32, #tpu.memory_space<vmem>> -> memref<1x64xf32, #tpu.memory_space<vmem>>
        %dma_start3A_766 = tpu.memref_squeeze %dma_start3A_765 : memref<1x64xf32, #tpu.memory_space<vmem>> -> memref<64xf32, #tpu.memory_space<vmem>>
        %dma_start3A_767 = arith.constant 0 : i32
        %dma_start3A_768 = tpu.memref_slice %arg3[%squeeze3A_759, %dma_start3A_767] : memref<1000000x64xf32, #tpu.memory_space<hbm>> -> memref<1x64xf32, #tpu.memory_space<hbm>>
        %dma_start3A_769 = tpu.memref_squeeze %dma_start3A_768 : memref<1x64xf32, #tpu.memory_space<hbm>> -> memref<64xf32, #tpu.memory_space<hbm>>
        %dma_start3A_770 = arith.constant 0 : i32
        %dma_start3A_771 = tpu.memref_slice %arg6[%add3A_763, %dma_start3A_770] : memref<512x128xf32, #tpu.memory_space<vmem>> -> memref<1x64xf32, #tpu.memory_space<vmem>>
        %dma_start3A_772 = tpu.memref_squeeze %dma_start3A_771 : memref<1x64xf32, #tpu.memory_space<vmem>> -> memref<64xf32, #tpu.memory_space<vmem>>
        %dma_start3A_773 = arith.constant 0 : i32
        %dma_start3A_774 = tpu.memref_slice %arg3[%squeeze3A_759, %dma_start3A_773] : memref<1000000x64xf32, #tpu.memory_space<hbm>> -> memref<1x64xf32, #tpu.memory_space<hbm>>
        %dma_start3A_775 = tpu.memref_squeeze %dma_start3A_774 : memref<1x64xf32, #tpu.memory_space<hbm>> -> memref<64xf32, #tpu.memory_space<hbm>>
        tpu.enqueue_dma source(%dma_start3A_775 : memref<64xf32, #tpu.memory_space<hbm>>) target(%dma_start3A_772 : memref<64xf32, #tpu.memory_space<vmem>>) target_semaphore(%arg7 : memref<!tpu.dma_semaphore, #tpu.memory_space<semaphore_mem>>)
        %slice3A_776 = vector.extract_strided_slice %get3A_721 {offsets = [3], sizes = [1], strides = [1]} : vector<16xi32> to vector<1xi32>
        %squeeze3A_777 = vector.extract %slice3A_776[0] : i32 from vector<1xi32>
        %mul3A_778 = arith.constant 16 : i32
        %mul3A_779 = arith.muli %add3A_717, %mul3A_778 : i32
        %add3A_780 = arith.constant 3 : i32
        %add3A_781 = arith.addi %mul3A_779, %add3A_780 : i32
        %dma_start3A_782 = arith.constant 0 : i32
        %dma_start3A_783 = tpu.memref_slice %arg6[%add3A_781, %dma_start3A_782] : memref<512x128xf32, #tpu.memory_space<vmem>> -> memref<1x64xf32, #tpu.memory_space<vmem>>
        %dma_start3A_784 = tpu.memref_squeeze %dma_start3A_783 : memref<1x64xf32, #tpu.memory_space<vmem>> -> memref<64xf32, #tpu.memory_space<vmem>>
        %dma_start3A_785 = arith.constant 0 : i32
        %dma_start3A_786 = tpu.memref_slice %arg3[%squeeze3A_777, %dma_start3A_785] : memref<1000000x64xf32, #tpu.memory_space<hbm>> -> memref<1x64xf32, #tpu.memory_space<hbm>>
        %dma_start3A_787 = tpu.memref_squeeze %dma_start3A_786 : memref<1x64xf32, #tpu.memory_space<hbm>> -> memref<64xf32, #tpu.memory_space<hbm>>
        %dma_start3A_788 = arith.constant 0 : i32
        %dma_start3A_789 = tpu.memref_slice %arg6[%add3A_781, %dma_start3A_788] : memref<512x128xf32, #tpu.memory_space<vmem>> -> memref<1x64xf32, #tpu.memory_space<vmem>>
        %dma_start3A_790 = tpu.memref_squeeze %dma_start3A_789 : memref<1x64xf32, #tpu.memory_space<vmem>> -> memref<64xf32, #tpu.memory_space<vmem>>
        %dma_start3A_791 = arith.constant 0 : i32
        %dma_start3A_792 = tpu.memref_slice %arg3[%squeeze3A_777, %dma_start3A_791] : memref<1000000x64xf32, #tpu.memory_space<hbm>> -> memref<1x64xf32, #tpu.memory_space<hbm>>
        %dma_start3A_793 = tpu.memref_squeeze %dma_start3A_792 : memref<1x64xf32, #tpu.memory_space<hbm>> -> memref<64xf32, #tpu.memory_space<hbm>>
        tpu.enqueue_dma source(%dma_start3A_793 : memref<64xf32, #tpu.memory_space<hbm>>) target(%dma_start3A_790 : memref<64xf32, #tpu.memory_space<vmem>>) target_semaphore(%arg7 : memref<!tpu.dma_semaphore, #tpu.memory_space<semaphore_mem>>)
        %slice3A_794 = vector.extract_strided_slice %get3A_721 {offsets = [4], sizes = [1], strides = [1]} : vector<16xi32> to vector<1xi32>
        %squeeze3A_795 = vector.extract %slice3A_794[0] : i32 from vector<1xi32>
        %mul3A_796 = arith.constant 16 : i32
        %mul3A_797 = arith.muli %add3A_717, %mul3A_796 : i32
        %add3A_798 = arith.constant 4 : i32
        %add3A_799 = arith.addi %mul3A_797, %add3A_798 : i32
        %dma_start3A_800 = arith.constant 0 : i32
        %dma_start3A_801 = tpu.memref_slice %arg6[%add3A_799, %dma_start3A_800] : memref<512x128xf32, #tpu.memory_space<vmem>> -> memref<1x64xf32, #tpu.memory_space<vmem>>
        %dma_start3A_802 = tpu.memref_squeeze %dma_start3A_801 : memref<1x64xf32, #tpu.memory_space<vmem>> -> memref<64xf32, #tpu.memory_space<vmem>>
        %dma_start3A_803 = arith.constant 0 : i32
        %dma_start3A_804 = tpu.memref_slice %arg3[%squeeze3A_795, %dma_start3A_803] : memref<1000000x64xf32, #tpu.memory_space<hbm>> -> memref<1x64xf32, #tpu.memory_space<hbm>>
        %dma_start3A_805 = tpu.memref_squeeze %dma_start3A_804 : memref<1x64xf32, #tpu.memory_space<hbm>> -> memref<64xf32, #tpu.memory_space<hbm>>
        %dma_start3A_806 = arith.constant 0 : i32
        %dma_start3A_807 = tpu.memref_slice %arg6[%add3A_799, %dma_start3A_806] : memref<512x128xf32, #tpu.memory_space<vmem>> -> memref<1x64xf32, #tpu.memory_space<vmem>>
        %dma_start3A_808 = tpu.memref_squeeze %dma_start3A_807 : memref<1x64xf32, #tpu.memory_space<vmem>> -> memref<64xf32, #tpu.memory_space<vmem>>
        %dma_start3A_809 = arith.constant 0 : i32
        %dma_start3A_810 = tpu.memref_slice %arg3[%squeeze3A_795, %dma_start3A_809] : memref<1000000x64xf32, #tpu.memory_space<hbm>> -> memref<1x64xf32, #tpu.memory_space<hbm>>
        %dma_start3A_811 = tpu.memref_squeeze %dma_start3A_810 : memref<1x64xf32, #tpu.memory_space<hbm>> -> memref<64xf32, #tpu.memory_space<hbm>>
        tpu.enqueue_dma source(%dma_start3A_811 : memref<64xf32, #tpu.memory_space<hbm>>) target(%dma_start3A_808 : memref<64xf32, #tpu.memory_space<vmem>>) target_semaphore(%arg7 : memref<!tpu.dma_semaphore, #tpu.memory_space<semaphore_mem>>)
        %slice3A_812 = vector.extract_strided_slice %get3A_721 {offsets = [5], sizes = [1], strides = [1]} : vector<16xi32> to vector<1xi32>
        %squeeze3A_813 = vector.extract %slice3A_812[0] : i32 from vector<1xi32>
        %mul3A_814 = arith.constant 16 : i32
        %mul3A_815 = arith.muli %add3A_717, %mul3A_814 : i32
        %add3A_816 = arith.constant 5 : i32
        %add3A_817 = arith.addi %mul3A_815, %add3A_816 : i32
        %dma_start3A_818 = arith.constant 0 : i32
        %dma_start3A_819 = tpu.memref_slice %arg6[%add3A_817, %dma_start3A_818] : memref<512x128xf32, #tpu.memory_space<vmem>> -> memref<1x64xf32, #tpu.memory_space<vmem>>
        %dma_start3A_820 = tpu.memref_squeeze %dma_start3A_819 : memref<1x64xf32, #tpu.memory_space<vmem>> -> memref<64xf32, #tpu.memory_space<vmem>>
        %dma_start3A_821 = arith.constant 0 : i32
        %dma_start3A_822 = tpu.memref_slice %arg3[%squeeze3A_813, %dma_start3A_821] : memref<1000000x64xf32, #tpu.memory_space<hbm>> -> memref<1x64xf32, #tpu.memory_space<hbm>>
        %dma_start3A_823 = tpu.memref_squeeze %dma_start3A_822 : memref<1x64xf32, #tpu.memory_space<hbm>> -> memref<64xf32, #tpu.memory_space<hbm>>
        %dma_start3A_824 = arith.constant 0 : i32
        %dma_start3A_825 = tpu.memref_slice %arg6[%add3A_817, %dma_start3A_824] : memref<512x128xf32, #tpu.memory_space<vmem>> -> memref<1x64xf32, #tpu.memory_space<vmem>>
        %dma_start3A_826 = tpu.memref_squeeze %dma_start3A_825 : memref<1x64xf32, #tpu.memory_space<vmem>> -> memref<64xf32, #tpu.memory_space<vmem>>
        %dma_start3A_827 = arith.constant 0 : i32
        %dma_start3A_828 = tpu.memref_slice %arg3[%squeeze3A_813, %dma_start3A_827] : memref<1000000x64xf32, #tpu.memory_space<hbm>> -> memref<1x64xf32, #tpu.memory_space<hbm>>
        %dma_start3A_829 = tpu.memref_squeeze %dma_start3A_828 : memref<1x64xf32, #tpu.memory_space<hbm>> -> memref<64xf32, #tpu.memory_space<hbm>>
        tpu.enqueue_dma source(%dma_start3A_829 : memref<64xf32, #tpu.memory_space<hbm>>) target(%dma_start3A_826 : memref<64xf32, #tpu.memory_space<vmem>>) target_semaphore(%arg7 : memref<!tpu.dma_semaphore, #tpu.memory_space<semaphore_mem>>)
        %slice3A_830 = vector.extract_strided_slice %get3A_721 {offsets = [6], sizes = [1], strides = [1]} : vector<16xi32> to vector<1xi32>
        %squeeze3A_831 = vector.extract %slice3A_830[0] : i32 from vector<1xi32>
        %mul3A_832 = arith.constant 16 : i32
        %mul3A_833 = arith.muli %add3A_717, %mul3A_832 : i32
        %add3A_834 = arith.constant 6 : i32
        %add3A_835 = arith.addi %mul3A_833, %add3A_834 : i32
        %dma_start3A_836 = arith.constant 0 : i32
        %dma_start3A_837 = tpu.memref_slice %arg6[%add3A_835, %dma_start3A_836] : memref<512x128xf32, #tpu.memory_space<vmem>> -> memref<1x64xf32, #tpu.memory_space<vmem>>
        %dma_start3A_838 = tpu.memref_squeeze %dma_start3A_837 : memref<1x64xf32, #tpu.memory_space<vmem>> -> memref<64xf32, #tpu.memory_space<vmem>>
        %dma_start3A_839 = arith.constant 0 : i32
        %dma_start3A_840 = tpu.memref_slice %arg3[%squeeze3A_831, %dma_start3A_839] : memref<1000000x64xf32, #tpu.memory_space<hbm>> -> memref<1x64xf32, #tpu.memory_space<hbm>>
        %dma_start3A_841 = tpu.memref_squeeze %dma_start3A_840 : memref<1x64xf32, #tpu.memory_space<hbm>> -> memref<64xf32, #tpu.memory_space<hbm>>
        %dma_start3A_842 = arith.constant 0 : i32
        %dma_start3A_843 = tpu.memref_slice %arg6[%add3A_835, %dma_start3A_842] : memref<512x128xf32, #tpu.memory_space<vmem>> -> memref<1x64xf32, #tpu.memory_space<vmem>>
        %dma_start3A_844 = tpu.memref_squeeze %dma_start3A_843 : memref<1x64xf32, #tpu.memory_space<vmem>> -> memref<64xf32, #tpu.memory_space<vmem>>
        %dma_start3A_845 = arith.constant 0 : i32
        %dma_start3A_846 = tpu.memref_slice %arg3[%squeeze3A_831, %dma_start3A_845] : memref<1000000x64xf32, #tpu.memory_space<hbm>> -> memref<1x64xf32, #tpu.memory_space<hbm>>
        %dma_start3A_847 = tpu.memref_squeeze %dma_start3A_846 : memref<1x64xf32, #tpu.memory_space<hbm>> -> memref<64xf32, #tpu.memory_space<hbm>>
        tpu.enqueue_dma source(%dma_start3A_847 : memref<64xf32, #tpu.memory_space<hbm>>) target(%dma_start3A_844 : memref<64xf32, #tpu.memory_space<vmem>>) target_semaphore(%arg7 : memref<!tpu.dma_semaphore, #tpu.memory_space<semaphore_mem>>)
        %slice3A_848 = vector.extract_strided_slice %get3A_721 {offsets = [7], sizes = [1], strides = [1]} : vector<16xi32> to vector<1xi32>
        %squeeze3A_849 = vector.extract %slice3A_848[0] : i32 from vector<1xi32>
        %mul3A_850 = arith.constant 16 : i32
        %mul3A_851 = arith.muli %add3A_717, %mul3A_850 : i32
        %add3A_852 = arith.constant 7 : i32
        %add3A_853 = arith.addi %mul3A_851, %add3A_852 : i32
        %dma_start3A_854 = arith.constant 0 : i32
        %dma_start3A_855 = tpu.memref_slice %arg6[%add3A_853, %dma_start3A_854] : memref<512x128xf32, #tpu.memory_space<vmem>> -> memref<1x64xf32, #tpu.memory_space<vmem>>
        %dma_start3A_856 = tpu.memref_squeeze %dma_start3A_855 : memref<1x64xf32, #tpu.memory_space<vmem>> -> memref<64xf32, #tpu.memory_space<vmem>>
        %dma_start3A_857 = arith.constant 0 : i32
        %dma_start3A_858 = tpu.memref_slice %arg3[%squeeze3A_849, %dma_start3A_857] : memref<1000000x64xf32, #tpu.memory_space<hbm>> -> memref<1x64xf32, #tpu.memory_space<hbm>>
        %dma_start3A_859 = tpu.memref_squeeze %dma_start3A_858 : memref<1x64xf32, #tpu.memory_space<hbm>> -> memref<64xf32, #tpu.memory_space<hbm>>
        %dma_start3A_860 = arith.constant 0 : i32
        %dma_start3A_861 = tpu.memref_slice %arg6[%add3A_853, %dma_start3A_860] : memref<512x128xf32, #tpu.memory_space<vmem>> -> memref<1x64xf32, #tpu.memory_space<vmem>>
        %dma_start3A_862 = tpu.memref_squeeze %dma_start3A_861 : memref<1x64xf32, #tpu.memory_space<vmem>> -> memref<64xf32, #tpu.memory_space<vmem>>
        %dma_start3A_863 = arith.constant 0 : i32
        %dma_start3A_864 = tpu.memref_slice %arg3[%squeeze3A_849, %dma_start3A_863] : memref<1000000x64xf32, #tpu.memory_space<hbm>> -> memref<1x64xf32, #tpu.memory_space<hbm>>
        %dma_start3A_865 = tpu.memref_squeeze %dma_start3A_864 : memref<1x64xf32, #tpu.memory_space<hbm>> -> memref<64xf32, #tpu.memory_space<hbm>>
        tpu.enqueue_dma source(%dma_start3A_865 : memref<64xf32, #tpu.memory_space<hbm>>) target(%dma_start3A_862 : memref<64xf32, #tpu.memory_space<vmem>>) target_semaphore(%arg7 : memref<!tpu.dma_semaphore, #tpu.memory_space<semaphore_mem>>)
        %slice3A_866 = vector.extract_strided_slice %get3A_721 {offsets = [8], sizes = [1], strides = [1]} : vector<16xi32> to vector<1xi32>
        %squeeze3A_867 = vector.extract %slice3A_866[0] : i32 from vector<1xi32>
        %mul3A_868 = arith.constant 16 : i32
        %mul3A_869 = arith.muli %add3A_717, %mul3A_868 : i32
        %add3A_870 = arith.constant 8 : i32
        %add3A_871 = arith.addi %mul3A_869, %add3A_870 : i32
        %dma_start3A_872 = arith.constant 0 : i32
        %dma_start3A_873 = tpu.memref_slice %arg6[%add3A_871, %dma_start3A_872] : memref<512x128xf32, #tpu.memory_space<vmem>> -> memref<1x64xf32, #tpu.memory_space<vmem>>
        %dma_start3A_874 = tpu.memref_squeeze %dma_start3A_873 : memref<1x64xf32, #tpu.memory_space<vmem>> -> memref<64xf32, #tpu.memory_space<vmem>>
        %dma_start3A_875 = arith.constant 0 : i32
        %dma_start3A_876 = tpu.memref_slice %arg3[%squeeze3A_867, %dma_start3A_875] : memref<1000000x64xf32, #tpu.memory_space<hbm>> -> memref<1x64xf32, #tpu.memory_space<hbm>>
        %dma_start3A_877 = tpu.memref_squeeze %dma_start3A_876 : memref<1x64xf32, #tpu.memory_space<hbm>> -> memref<64xf32, #tpu.memory_space<hbm>>
        %dma_start3A_878 = arith.constant 0 : i32
        %dma_start3A_879 = tpu.memref_slice %arg6[%add3A_871, %dma_start3A_878] : memref<512x128xf32, #tpu.memory_space<vmem>> -> memref<1x64xf32, #tpu.memory_space<vmem>>
        %dma_start3A_880 = tpu.memref_squeeze %dma_start3A_879 : memref<1x64xf32, #tpu.memory_space<vmem>> -> memref<64xf32, #tpu.memory_space<vmem>>
        %dma_start3A_881 = arith.constant 0 : i32
        %dma_start3A_882 = tpu.memref_slice %arg3[%squeeze3A_867, %dma_start3A_881] : memref<1000000x64xf32, #tpu.memory_space<hbm>> -> memref<1x64xf32, #tpu.memory_space<hbm>>
        %dma_start3A_883 = tpu.memref_squeeze %dma_start3A_882 : memref<1x64xf32, #tpu.memory_space<hbm>> -> memref<64xf32, #tpu.memory_space<hbm>>
        tpu.enqueue_dma source(%dma_start3A_883 : memref<64xf32, #tpu.memory_space<hbm>>) target(%dma_start3A_880 : memref<64xf32, #tpu.memory_space<vmem>>) target_semaphore(%arg7 : memref<!tpu.dma_semaphore, #tpu.memory_space<semaphore_mem>>)
        %slice3A_884 = vector.extract_strided_slice %get3A_721 {offsets = [9], sizes = [1], strides = [1]} : vector<16xi32> to vector<1xi32>
        %squeeze3A_885 = vector.extract %slice3A_884[0] : i32 from vector<1xi32>
        %mul3A_886 = arith.constant 16 : i32
        %mul3A_887 = arith.muli %add3A_717, %mul3A_886 : i32
        %add3A_888 = arith.constant 9 : i32
        %add3A_889 = arith.addi %mul3A_887, %add3A_888 : i32
        %dma_start3A_890 = arith.constant 0 : i32
        %dma_start3A_891 = tpu.memref_slice %arg6[%add3A_889, %dma_start3A_890] : memref<512x128xf32, #tpu.memory_space<vmem>> -> memref<1x64xf32, #tpu.memory_space<vmem>>
        %dma_start3A_892 = tpu.memref_squeeze %dma_start3A_891 : memref<1x64xf32, #tpu.memory_space<vmem>> -> memref<64xf32, #tpu.memory_space<vmem>>
        %dma_start3A_893 = arith.constant 0 : i32
        %dma_start3A_894 = tpu.memref_slice %arg3[%squeeze3A_885, %dma_start3A_893] : memref<1000000x64xf32, #tpu.memory_space<hbm>> -> memref<1x64xf32, #tpu.memory_space<hbm>>
        %dma_start3A_895 = tpu.memref_squeeze %dma_start3A_894 : memref<1x64xf32, #tpu.memory_space<hbm>> -> memref<64xf32, #tpu.memory_space<hbm>>
        %dma_start3A_896 = arith.constant 0 : i32
        %dma_start3A_897 = tpu.memref_slice %arg6[%add3A_889, %dma_start3A_896] : memref<512x128xf32, #tpu.memory_space<vmem>> -> memref<1x64xf32, #tpu.memory_space<vmem>>
        %dma_start3A_898 = tpu.memref_squeeze %dma_start3A_897 : memref<1x64xf32, #tpu.memory_space<vmem>> -> memref<64xf32, #tpu.memory_space<vmem>>
        %dma_start3A_899 = arith.constant 0 : i32
        %dma_start3A_900 = tpu.memref_slice %arg3[%squeeze3A_885, %dma_start3A_899] : memref<1000000x64xf32, #tpu.memory_space<hbm>> -> memref<1x64xf32, #tpu.memory_space<hbm>>
        %dma_start3A_901 = tpu.memref_squeeze %dma_start3A_900 : memref<1x64xf32, #tpu.memory_space<hbm>> -> memref<64xf32, #tpu.memory_space<hbm>>
        tpu.enqueue_dma source(%dma_start3A_901 : memref<64xf32, #tpu.memory_space<hbm>>) target(%dma_start3A_898 : memref<64xf32, #tpu.memory_space<vmem>>) target_semaphore(%arg7 : memref<!tpu.dma_semaphore, #tpu.memory_space<semaphore_mem>>)
        %slice3A_902 = vector.extract_strided_slice %get3A_721 {offsets = [10], sizes = [1], strides = [1]} : vector<16xi32> to vector<1xi32>
        %squeeze3A_903 = vector.extract %slice3A_902[0] : i32 from vector<1xi32>
        %mul3A_904 = arith.constant 16 : i32
        %mul3A_905 = arith.muli %add3A_717, %mul3A_904 : i32
        %add3A_906 = arith.constant 10 : i32
        %add3A_907 = arith.addi %mul3A_905, %add3A_906 : i32
        %dma_start3A_908 = arith.constant 0 : i32
        %dma_start3A_909 = tpu.memref_slice %arg6[%add3A_907, %dma_start3A_908] : memref<512x128xf32, #tpu.memory_space<vmem>> -> memref<1x64xf32, #tpu.memory_space<vmem>>
        %dma_start3A_910 = tpu.memref_squeeze %dma_start3A_909 : memref<1x64xf32, #tpu.memory_space<vmem>> -> memref<64xf32, #tpu.memory_space<vmem>>
        %dma_start3A_911 = arith.constant 0 : i32
        %dma_start3A_912 = tpu.memref_slice %arg3[%squeeze3A_903, %dma_start3A_911] : memref<1000000x64xf32, #tpu.memory_space<hbm>> -> memref<1x64xf32, #tpu.memory_space<hbm>>
        %dma_start3A_913 = tpu.memref_squeeze %dma_start3A_912 : memref<1x64xf32, #tpu.memory_space<hbm>> -> memref<64xf32, #tpu.memory_space<hbm>>
        %dma_start3A_914 = arith.constant 0 : i32
        %dma_start3A_915 = tpu.memref_slice %arg6[%add3A_907, %dma_start3A_914] : memref<512x128xf32, #tpu.memory_space<vmem>> -> memref<1x64xf32, #tpu.memory_space<vmem>>
        %dma_start3A_916 = tpu.memref_squeeze %dma_start3A_915 : memref<1x64xf32, #tpu.memory_space<vmem>> -> memref<64xf32, #tpu.memory_space<vmem>>
        %dma_start3A_917 = arith.constant 0 : i32
        %dma_start3A_918 = tpu.memref_slice %arg3[%squeeze3A_903, %dma_start3A_917] : memref<1000000x64xf32, #tpu.memory_space<hbm>> -> memref<1x64xf32, #tpu.memory_space<hbm>>
        %dma_start3A_919 = tpu.memref_squeeze %dma_start3A_918 : memref<1x64xf32, #tpu.memory_space<hbm>> -> memref<64xf32, #tpu.memory_space<hbm>>
        tpu.enqueue_dma source(%dma_start3A_919 : memref<64xf32, #tpu.memory_space<hbm>>) target(%dma_start3A_916 : memref<64xf32, #tpu.memory_space<vmem>>) target_semaphore(%arg7 : memref<!tpu.dma_semaphore, #tpu.memory_space<semaphore_mem>>)
        %slice3A_920 = vector.extract_strided_slice %get3A_721 {offsets = [11], sizes = [1], strides = [1]} : vector<16xi32> to vector<1xi32>
        %squeeze3A_921 = vector.extract %slice3A_920[0] : i32 from vector<1xi32>
        %mul3A_922 = arith.constant 16 : i32
        %mul3A_923 = arith.muli %add3A_717, %mul3A_922 : i32
        %add3A_924 = arith.constant 11 : i32
        %add3A_925 = arith.addi %mul3A_923, %add3A_924 : i32
        %dma_start3A_926 = arith.constant 0 : i32
        %dma_start3A_927 = tpu.memref_slice %arg6[%add3A_925, %dma_start3A_926] : memref<512x128xf32, #tpu.memory_space<vmem>> -> memref<1x64xf32, #tpu.memory_space<vmem>>
        %dma_start3A_928 = tpu.memref_squeeze %dma_start3A_927 : memref<1x64xf32, #tpu.memory_space<vmem>> -> memref<64xf32, #tpu.memory_space<vmem>>
        %dma_start3A_929 = arith.constant 0 : i32
        %dma_start3A_930 = tpu.memref_slice %arg3[%squeeze3A_921, %dma_start3A_929] : memref<1000000x64xf32, #tpu.memory_space<hbm>> -> memref<1x64xf32, #tpu.memory_space<hbm>>
        %dma_start3A_931 = tpu.memref_squeeze %dma_start3A_930 : memref<1x64xf32, #tpu.memory_space<hbm>> -> memref<64xf32, #tpu.memory_space<hbm>>
        %dma_start3A_932 = arith.constant 0 : i32
        %dma_start3A_933 = tpu.memref_slice %arg6[%add3A_925, %dma_start3A_932] : memref<512x128xf32, #tpu.memory_space<vmem>> -> memref<1x64xf32, #tpu.memory_space<vmem>>
        %dma_start3A_934 = tpu.memref_squeeze %dma_start3A_933 : memref<1x64xf32, #tpu.memory_space<vmem>> -> memref<64xf32, #tpu.memory_space<vmem>>
        %dma_start3A_935 = arith.constant 0 : i32
        %dma_start3A_936 = tpu.memref_slice %arg3[%squeeze3A_921, %dma_start3A_935] : memref<1000000x64xf32, #tpu.memory_space<hbm>> -> memref<1x64xf32, #tpu.memory_space<hbm>>
        %dma_start3A_937 = tpu.memref_squeeze %dma_start3A_936 : memref<1x64xf32, #tpu.memory_space<hbm>> -> memref<64xf32, #tpu.memory_space<hbm>>
        tpu.enqueue_dma source(%dma_start3A_937 : memref<64xf32, #tpu.memory_space<hbm>>) target(%dma_start3A_934 : memref<64xf32, #tpu.memory_space<vmem>>) target_semaphore(%arg7 : memref<!tpu.dma_semaphore, #tpu.memory_space<semaphore_mem>>)
        %slice3A_938 = vector.extract_strided_slice %get3A_721 {offsets = [12], sizes = [1], strides = [1]} : vector<16xi32> to vector<1xi32>
        %squeeze3A_939 = vector.extract %slice3A_938[0] : i32 from vector<1xi32>
        %mul3A_940 = arith.constant 16 : i32
        %mul3A_941 = arith.muli %add3A_717, %mul3A_940 : i32
        %add3A_942 = arith.constant 12 : i32
        %add3A_943 = arith.addi %mul3A_941, %add3A_942 : i32
        %dma_start3A_944 = arith.constant 0 : i32
        %dma_start3A_945 = tpu.memref_slice %arg6[%add3A_943, %dma_start3A_944] : memref<512x128xf32, #tpu.memory_space<vmem>> -> memref<1x64xf32, #tpu.memory_space<vmem>>
        %dma_start3A_946 = tpu.memref_squeeze %dma_start3A_945 : memref<1x64xf32, #tpu.memory_space<vmem>> -> memref<64xf32, #tpu.memory_space<vmem>>
        %dma_start3A_947 = arith.constant 0 : i32
        %dma_start3A_948 = tpu.memref_slice %arg3[%squeeze3A_939, %dma_start3A_947] : memref<1000000x64xf32, #tpu.memory_space<hbm>> -> memref<1x64xf32, #tpu.memory_space<hbm>>
        %dma_start3A_949 = tpu.memref_squeeze %dma_start3A_948 : memref<1x64xf32, #tpu.memory_space<hbm>> -> memref<64xf32, #tpu.memory_space<hbm>>
        %dma_start3A_950 = arith.constant 0 : i32
        %dma_start3A_951 = tpu.memref_slice %arg6[%add3A_943, %dma_start3A_950] : memref<512x128xf32, #tpu.memory_space<vmem>> -> memref<1x64xf32, #tpu.memory_space<vmem>>
        %dma_start3A_952 = tpu.memref_squeeze %dma_start3A_951 : memref<1x64xf32, #tpu.memory_space<vmem>> -> memref<64xf32, #tpu.memory_space<vmem>>
        %dma_start3A_953 = arith.constant 0 : i32
        %dma_start3A_954 = tpu.memref_slice %arg3[%squeeze3A_939, %dma_start3A_953] : memref<1000000x64xf32, #tpu.memory_space<hbm>> -> memref<1x64xf32, #tpu.memory_space<hbm>>
        %dma_start3A_955 = tpu.memref_squeeze %dma_start3A_954 : memref<1x64xf32, #tpu.memory_space<hbm>> -> memref<64xf32, #tpu.memory_space<hbm>>
        tpu.enqueue_dma source(%dma_start3A_955 : memref<64xf32, #tpu.memory_space<hbm>>) target(%dma_start3A_952 : memref<64xf32, #tpu.memory_space<vmem>>) target_semaphore(%arg7 : memref<!tpu.dma_semaphore, #tpu.memory_space<semaphore_mem>>)
        %slice3A_956 = vector.extract_strided_slice %get3A_721 {offsets = [13], sizes = [1], strides = [1]} : vector<16xi32> to vector<1xi32>
        %squeeze3A_957 = vector.extract %slice3A_956[0] : i32 from vector<1xi32>
        %mul3A_958 = arith.constant 16 : i32
        %mul3A_959 = arith.muli %add3A_717, %mul3A_958 : i32
        %add3A_960 = arith.constant 13 : i32
        %add3A_961 = arith.addi %mul3A_959, %add3A_960 : i32
        %dma_start3A_962 = arith.constant 0 : i32
        %dma_start3A_963 = tpu.memref_slice %arg6[%add3A_961, %dma_start3A_962] : memref<512x128xf32, #tpu.memory_space<vmem>> -> memref<1x64xf32, #tpu.memory_space<vmem>>
        %dma_start3A_964 = tpu.memref_squeeze %dma_start3A_963 : memref<1x64xf32, #tpu.memory_space<vmem>> -> memref<64xf32, #tpu.memory_space<vmem>>
        %dma_start3A_965 = arith.constant 0 : i32
        %dma_start3A_966 = tpu.memref_slice %arg3[%squeeze3A_957, %dma_start3A_965] : memref<1000000x64xf32, #tpu.memory_space<hbm>> -> memref<1x64xf32, #tpu.memory_space<hbm>>
        %dma_start3A_967 = tpu.memref_squeeze %dma_start3A_966 : memref<1x64xf32, #tpu.memory_space<hbm>> -> memref<64xf32, #tpu.memory_space<hbm>>
        %dma_start3A_968 = arith.constant 0 : i32
        %dma_start3A_969 = tpu.memref_slice %arg6[%add3A_961, %dma_start3A_968] : memref<512x128xf32, #tpu.memory_space<vmem>> -> memref<1x64xf32, #tpu.memory_space<vmem>>
        %dma_start3A_970 = tpu.memref_squeeze %dma_start3A_969 : memref<1x64xf32, #tpu.memory_space<vmem>> -> memref<64xf32, #tpu.memory_space<vmem>>
        %dma_start3A_971 = arith.constant 0 : i32
        %dma_start3A_972 = tpu.memref_slice %arg3[%squeeze3A_957, %dma_start3A_971] : memref<1000000x64xf32, #tpu.memory_space<hbm>> -> memref<1x64xf32, #tpu.memory_space<hbm>>
        %dma_start3A_973 = tpu.memref_squeeze %dma_start3A_972 : memref<1x64xf32, #tpu.memory_space<hbm>> -> memref<64xf32, #tpu.memory_space<hbm>>
        tpu.enqueue_dma source(%dma_start3A_973 : memref<64xf32, #tpu.memory_space<hbm>>) target(%dma_start3A_970 : memref<64xf32, #tpu.memory_space<vmem>>) target_semaphore(%arg7 : memref<!tpu.dma_semaphore, #tpu.memory_space<semaphore_mem>>)
        %slice3A_974 = vector.extract_strided_slice %get3A_721 {offsets = [14], sizes = [1], strides = [1]} : vector<16xi32> to vector<1xi32>
        %squeeze3A_975 = vector.extract %slice3A_974[0] : i32 from vector<1xi32>
        %mul3A_976 = arith.constant 16 : i32
        %mul3A_977 = arith.muli %add3A_717, %mul3A_976 : i32
        %add3A_978 = arith.constant 14 : i32
        %add3A_979 = arith.addi %mul3A_977, %add3A_978 : i32
        %dma_start3A_980 = arith.constant 0 : i32
        %dma_start3A_981 = tpu.memref_slice %arg6[%add3A_979, %dma_start3A_980] : memref<512x128xf32, #tpu.memory_space<vmem>> -> memref<1x64xf32, #tpu.memory_space<vmem>>
        %dma_start3A_982 = tpu.memref_squeeze %dma_start3A_981 : memref<1x64xf32, #tpu.memory_space<vmem>> -> memref<64xf32, #tpu.memory_space<vmem>>
        %dma_start3A_983 = arith.constant 0 : i32
        %dma_start3A_984 = tpu.memref_slice %arg3[%squeeze3A_975, %dma_start3A_983] : memref<1000000x64xf32, #tpu.memory_space<hbm>> -> memref<1x64xf32, #tpu.memory_space<hbm>>
        %dma_start3A_985 = tpu.memref_squeeze %dma_start3A_984 : memref<1x64xf32, #tpu.memory_space<hbm>> -> memref<64xf32, #tpu.memory_space<hbm>>
        %dma_start3A_986 = arith.constant 0 : i32
        %dma_start3A_987 = tpu.memref_slice %arg6[%add3A_979, %dma_start3A_986] : memref<512x128xf32, #tpu.memory_space<vmem>> -> memref<1x64xf32, #tpu.memory_space<vmem>>
        %dma_start3A_988 = tpu.memref_squeeze %dma_start3A_987 : memref<1x64xf32, #tpu.memory_space<vmem>> -> memref<64xf32, #tpu.memory_space<vmem>>
        %dma_start3A_989 = arith.constant 0 : i32
        %dma_start3A_990 = tpu.memref_slice %arg3[%squeeze3A_975, %dma_start3A_989] : memref<1000000x64xf32, #tpu.memory_space<hbm>> -> memref<1x64xf32, #tpu.memory_space<hbm>>
        %dma_start3A_991 = tpu.memref_squeeze %dma_start3A_990 : memref<1x64xf32, #tpu.memory_space<hbm>> -> memref<64xf32, #tpu.memory_space<hbm>>
        tpu.enqueue_dma source(%dma_start3A_991 : memref<64xf32, #tpu.memory_space<hbm>>) target(%dma_start3A_988 : memref<64xf32, #tpu.memory_space<vmem>>) target_semaphore(%arg7 : memref<!tpu.dma_semaphore, #tpu.memory_space<semaphore_mem>>)
        %slice3A_992 = vector.extract_strided_slice %get3A_721 {offsets = [15], sizes = [1], strides = [1]} : vector<16xi32> to vector<1xi32>
        %squeeze3A_993 = vector.extract %slice3A_992[0] : i32 from vector<1xi32>
        %mul3A_994 = arith.constant 16 : i32
        %mul3A_995 = arith.muli %add3A_717, %mul3A_994 : i32
        %add3A_996 = arith.constant 15 : i32
        %add3A_997 = arith.addi %mul3A_995, %add3A_996 : i32
        %dma_start3A_998 = arith.constant 0 : i32
        %dma_start3A_999 = tpu.memref_slice %arg6[%add3A_997, %dma_start3A_998] : memref<512x128xf32, #tpu.memory_space<vmem>> -> memref<1x64xf32, #tpu.memory_space<vmem>>
        %dma_start3A_1000 = tpu.memref_squeeze %dma_start3A_999 : memref<1x64xf32, #tpu.memory_space<vmem>> -> memref<64xf32, #tpu.memory_space<vmem>>
        %dma_start3A_1001 = arith.constant 0 : i32
        %dma_start3A_1002 = tpu.memref_slice %arg3[%squeeze3A_993, %dma_start3A_1001] : memref<1000000x64xf32, #tpu.memory_space<hbm>> -> memref<1x64xf32, #tpu.memory_space<hbm>>
        %dma_start3A_1003 = tpu.memref_squeeze %dma_start3A_1002 : memref<1x64xf32, #tpu.memory_space<hbm>> -> memref<64xf32, #tpu.memory_space<hbm>>
        %dma_start3A_1004 = arith.constant 0 : i32
        %dma_start3A_1005 = tpu.memref_slice %arg6[%add3A_997, %dma_start3A_1004] : memref<512x128xf32, #tpu.memory_space<vmem>> -> memref<1x64xf32, #tpu.memory_space<vmem>>
        %dma_start3A_1006 = tpu.memref_squeeze %dma_start3A_1005 : memref<1x64xf32, #tpu.memory_space<vmem>> -> memref<64xf32, #tpu.memory_space<vmem>>
        %dma_start3A_1007 = arith.constant 0 : i32
        %dma_start3A_1008 = tpu.memref_slice %arg3[%squeeze3A_993, %dma_start3A_1007] : memref<1000000x64xf32, #tpu.memory_space<hbm>> -> memref<1x64xf32, #tpu.memory_space<hbm>>
        %dma_start3A_1009 = tpu.memref_squeeze %dma_start3A_1008 : memref<1x64xf32, #tpu.memory_space<hbm>> -> memref<64xf32, #tpu.memory_space<hbm>>
        tpu.enqueue_dma source(%dma_start3A_1009 : memref<64xf32, #tpu.memory_space<hbm>>) target(%dma_start3A_1006 : memref<64xf32, #tpu.memory_space<vmem>>) target_semaphore(%arg7 : memref<!tpu.dma_semaphore, #tpu.memory_space<semaphore_mem>>)
      } else {
      }
      %dma_wait3A = arith.constant 0 : i32
      %dma_wait3A_493 = arith.constant 0 : i32
      %dma_wait3A_494 = arith.constant 0 : i32
      %dma_wait3A_495 = tpu.memref_slice %arg6[%dma_wait3A_493, %dma_wait3A_494] : memref<512x128xf32, #tpu.memory_space<vmem>> -> memref<1x64xf32, #tpu.memory_space<vmem>>
      %dma_wait3A_496 = tpu.memref_squeeze %dma_wait3A_495 : memref<1x64xf32, #tpu.memory_space<vmem>> -> memref<64xf32, #tpu.memory_space<vmem>>
      %dma_wait3A_497 = arith.constant 0 : i32
      %dma_wait3A_498 = tpu.memref_slice %arg3[%dma_wait3A, %dma_wait3A_497] : memref<1000000x64xf32, #tpu.memory_space<hbm>> -> memref<1x64xf32, #tpu.memory_space<hbm>>
      %dma_wait3A_499 = tpu.memref_squeeze %dma_wait3A_498 : memref<1x64xf32, #tpu.memory_space<hbm>> -> memref<64xf32, #tpu.memory_space<hbm>>
      %dma_wait3A_500 = arith.constant 0 : i32
      %dma_wait3A_501 = tpu.memref_slice %arg6[%dma_wait3A_493, %dma_wait3A_500] : memref<512x128xf32, #tpu.memory_space<vmem>> -> memref<1x64xf32, #tpu.memory_space<vmem>>
      %dma_wait3A_502 = tpu.memref_squeeze %dma_wait3A_501 : memref<1x64xf32, #tpu.memory_space<vmem>> -> memref<64xf32, #tpu.memory_space<vmem>>
      %dma_wait3A_503 = arith.constant 0 : i32
      %dma_wait3A_504 = tpu.memref_slice %arg3[%dma_wait3A, %dma_wait3A_503] : memref<1000000x64xf32, #tpu.memory_space<hbm>> -> memref<1x64xf32, #tpu.memory_space<hbm>>
      %dma_wait3A_505 = tpu.memref_squeeze %dma_wait3A_504 : memref<1x64xf32, #tpu.memory_space<hbm>> -> memref<64xf32, #tpu.memory_space<hbm>>
      tpu.wait_dma2 semaphore(%arg7 : memref<!tpu.dma_semaphore, #tpu.memory_space<semaphore_mem>>) src(%dma_wait3A_505 : memref<64xf32, #tpu.memory_space<hbm>>) dst(%dma_wait3A_502 : memref<64xf32, #tpu.memory_space<vmem>>)
      %dma_wait3A_506 = arith.constant 0 : i32
      %dma_wait3A_507 = arith.constant 0 : i32
      %dma_wait3A_508 = arith.constant 0 : i32
      %dma_wait3A_509 = tpu.memref_slice %arg6[%dma_wait3A_507, %dma_wait3A_508] : memref<512x128xf32, #tpu.memory_space<vmem>> -> memref<1x64xf32, #tpu.memory_space<vmem>>
      %dma_wait3A_510 = tpu.memref_squeeze %dma_wait3A_509 : memref<1x64xf32, #tpu.memory_space<vmem>> -> memref<64xf32, #tpu.memory_space<vmem>>
      %dma_wait3A_511 = arith.constant 0 : i32
      %dma_wait3A_512 = tpu.memref_slice %arg3[%dma_wait3A_506, %dma_wait3A_511] : memref<1000000x64xf32, #tpu.memory_space<hbm>> -> memref<1x64xf32, #tpu.memory_space<hbm>>
      %dma_wait3A_513 = tpu.memref_squeeze %dma_wait3A_512 : memref<1x64xf32, #tpu.memory_space<hbm>> -> memref<64xf32, #tpu.memory_space<hbm>>
      %dma_wait3A_514 = arith.constant 0 : i32
      %dma_wait3A_515 = tpu.memref_slice %arg6[%dma_wait3A_507, %dma_wait3A_514] : memref<512x128xf32, #tpu.memory_space<vmem>> -> memref<1x64xf32, #tpu.memory_space<vmem>>
      %dma_wait3A_516 = tpu.memref_squeeze %dma_wait3A_515 : memref<1x64xf32, #tpu.memory_space<vmem>> -> memref<64xf32, #tpu.memory_space<vmem>>
      %dma_wait3A_517 = arith.constant 0 : i32
      %dma_wait3A_518 = tpu.memref_slice %arg3[%dma_wait3A_506, %dma_wait3A_517] : memref<1000000x64xf32, #tpu.memory_space<hbm>> -> memref<1x64xf32, #tpu.memory_space<hbm>>
      %dma_wait3A_519 = tpu.memref_squeeze %dma_wait3A_518 : memref<1x64xf32, #tpu.memory_space<hbm>> -> memref<64xf32, #tpu.memory_space<hbm>>
      tpu.wait_dma2 semaphore(%arg7 : memref<!tpu.dma_semaphore, #tpu.memory_space<semaphore_mem>>) src(%dma_wait3A_519 : memref<64xf32, #tpu.memory_space<hbm>>) dst(%dma_wait3A_516 : memref<64xf32, #tpu.memory_space<vmem>>)
      %dma_wait3A_520 = arith.constant 0 : i32
      %dma_wait3A_521 = arith.constant 0 : i32
      %dma_wait3A_522 = arith.constant 0 : i32
      %dma_wait3A_523 = tpu.memref_slice %arg6[%dma_wait3A_521, %dma_wait3A_522] : memref<512x128xf32, #tpu.memory_space<vmem>> -> memref<1x64xf32, #tpu.memory_space<vmem>>
      %dma_wait3A_524 = tpu.memref_squeeze %dma_wait3A_523 : memref<1x64xf32, #tpu.memory_space<vmem>> -> memref<64xf32, #tpu.memory_space<vmem>>
      %dma_wait3A_525 = arith.constant 0 : i32
      %dma_wait3A_526 = tpu.memref_slice %arg3[%dma_wait3A_520, %dma_wait3A_525] : memref<1000000x64xf32, #tpu.memory_space<hbm>> -> memref<1x64xf32, #tpu.memory_space<hbm>>
      %dma_wait3A_527 = tpu.memref_squeeze %dma_wait3A_526 : memref<1x64xf32, #tpu.memory_space<hbm>> -> memref<64xf32, #tpu.memory_space<hbm>>
      %dma_wait3A_528 = arith.constant 0 : i32
      %dma_wait3A_529 = tpu.memref_slice %arg6[%dma_wait3A_521, %dma_wait3A_528] : memref<512x128xf32, #tpu.memory_space<vmem>> -> memref<1x64xf32, #tpu.memory_space<vmem>>
      %dma_wait3A_530 = tpu.memref_squeeze %dma_wait3A_529 : memref<1x64xf32, #tpu.memory_space<vmem>> -> memref<64xf32, #tpu.memory_space<vmem>>
      %dma_wait3A_531 = arith.constant 0 : i32
      %dma_wait3A_532 = tpu.memref_slice %arg3[%dma_wait3A_520, %dma_wait3A_531] : memref<1000000x64xf32, #tpu.memory_space<hbm>> -> memref<1x64xf32, #tpu.memory_space<hbm>>
      %dma_wait3A_533 = tpu.memref_squeeze %dma_wait3A_532 : memref<1x64xf32, #tpu.memory_space<hbm>> -> memref<64xf32, #tpu.memory_space<hbm>>
      tpu.wait_dma2 semaphore(%arg7 : memref<!tpu.dma_semaphore, #tpu.memory_space<semaphore_mem>>) src(%dma_wait3A_533 : memref<64xf32, #tpu.memory_space<hbm>>) dst(%dma_wait3A_530 : memref<64xf32, #tpu.memory_space<vmem>>)
      %dma_wait3A_534 = arith.constant 0 : i32
      %dma_wait3A_535 = arith.constant 0 : i32
      %dma_wait3A_536 = arith.constant 0 : i32
      %dma_wait3A_537 = tpu.memref_slice %arg6[%dma_wait3A_535, %dma_wait3A_536] : memref<512x128xf32, #tpu.memory_space<vmem>> -> memref<1x64xf32, #tpu.memory_space<vmem>>
      %dma_wait3A_538 = tpu.memref_squeeze %dma_wait3A_537 : memref<1x64xf32, #tpu.memory_space<vmem>> -> memref<64xf32, #tpu.memory_space<vmem>>
      %dma_wait3A_539 = arith.constant 0 : i32
      %dma_wait3A_540 = tpu.memref_slice %arg3[%dma_wait3A_534, %dma_wait3A_539] : memref<1000000x64xf32, #tpu.memory_space<hbm>> -> memref<1x64xf32, #tpu.memory_space<hbm>>
      %dma_wait3A_541 = tpu.memref_squeeze %dma_wait3A_540 : memref<1x64xf32, #tpu.memory_space<hbm>> -> memref<64xf32, #tpu.memory_space<hbm>>
      %dma_wait3A_542 = arith.constant 0 : i32
      %dma_wait3A_543 = tpu.memref_slice %arg6[%dma_wait3A_535, %dma_wait3A_542] : memref<512x128xf32, #tpu.memory_space<vmem>> -> memref<1x64xf32, #tpu.memory_space<vmem>>
      %dma_wait3A_544 = tpu.memref_squeeze %dma_wait3A_543 : memref<1x64xf32, #tpu.memory_space<vmem>> -> memref<64xf32, #tpu.memory_space<vmem>>
      %dma_wait3A_545 = arith.constant 0 : i32
      %dma_wait3A_546 = tpu.memref_slice %arg3[%dma_wait3A_534, %dma_wait3A_545] : memref<1000000x64xf32, #tpu.memory_space<hbm>> -> memref<1x64xf32, #tpu.memory_space<hbm>>
      %dma_wait3A_547 = tpu.memref_squeeze %dma_wait3A_546 : memref<1x64xf32, #tpu.memory_space<hbm>> -> memref<64xf32, #tpu.memory_space<hbm>>
      tpu.wait_dma2 semaphore(%arg7 : memref<!tpu.dma_semaphore, #tpu.memory_space<semaphore_mem>>) src(%dma_wait3A_547 : memref<64xf32, #tpu.memory_space<hbm>>) dst(%dma_wait3A_544 : memref<64xf32, #tpu.memory_space<vmem>>)
      %dma_wait3A_548 = arith.constant 0 : i32
      %dma_wait3A_549 = arith.constant 0 : i32
      %dma_wait3A_550 = arith.constant 0 : i32
      %dma_wait3A_551 = tpu.memref_slice %arg6[%dma_wait3A_549, %dma_wait3A_550] : memref<512x128xf32, #tpu.memory_space<vmem>> -> memref<1x64xf32, #tpu.memory_space<vmem>>
      %dma_wait3A_552 = tpu.memref_squeeze %dma_wait3A_551 : memref<1x64xf32, #tpu.memory_space<vmem>> -> memref<64xf32, #tpu.memory_space<vmem>>
      %dma_wait3A_553 = arith.constant 0 : i32
      %dma_wait3A_554 = tpu.memref_slice %arg3[%dma_wait3A_548, %dma_wait3A_553] : memref<1000000x64xf32, #tpu.memory_space<hbm>> -> memref<1x64xf32, #tpu.memory_space<hbm>>
      %dma_wait3A_555 = tpu.memref_squeeze %dma_wait3A_554 : memref<1x64xf32, #tpu.memory_space<hbm>> -> memref<64xf32, #tpu.memory_space<hbm>>
      %dma_wait3A_556 = arith.constant 0 : i32
      %dma_wait3A_557 = tpu.memref_slice %arg6[%dma_wait3A_549, %dma_wait3A_556] : memref<512x128xf32, #tpu.memory_space<vmem>> -> memref<1x64xf32, #tpu.memory_space<vmem>>
      %dma_wait3A_558 = tpu.memref_squeeze %dma_wait3A_557 : memref<1x64xf32, #tpu.memory_space<vmem>> -> memref<64xf32, #tpu.memory_space<vmem>>
      %dma_wait3A_559 = arith.constant 0 : i32
      %dma_wait3A_560 = tpu.memref_slice %arg3[%dma_wait3A_548, %dma_wait3A_559] : memref<1000000x64xf32, #tpu.memory_space<hbm>> -> memref<1x64xf32, #tpu.memory_space<hbm>>
      %dma_wait3A_561 = tpu.memref_squeeze %dma_wait3A_560 : memref<1x64xf32, #tpu.memory_space<hbm>> -> memref<64xf32, #tpu.memory_space<hbm>>
      tpu.wait_dma2 semaphore(%arg7 : memref<!tpu.dma_semaphore, #tpu.memory_space<semaphore_mem>>) src(%dma_wait3A_561 : memref<64xf32, #tpu.memory_space<hbm>>) dst(%dma_wait3A_558 : memref<64xf32, #tpu.memory_space<vmem>>)
      %dma_wait3A_562 = arith.constant 0 : i32
      %dma_wait3A_563 = arith.constant 0 : i32
      %dma_wait3A_564 = arith.constant 0 : i32
      %dma_wait3A_565 = tpu.memref_slice %arg6[%dma_wait3A_563, %dma_wait3A_564] : memref<512x128xf32, #tpu.memory_space<vmem>> -> memref<1x64xf32, #tpu.memory_space<vmem>>
      %dma_wait3A_566 = tpu.memref_squeeze %dma_wait3A_565 : memref<1x64xf32, #tpu.memory_space<vmem>> -> memref<64xf32, #tpu.memory_space<vmem>>
      %dma_wait3A_567 = arith.constant 0 : i32
      %dma_wait3A_568 = tpu.memref_slice %arg3[%dma_wait3A_562, %dma_wait3A_567] : memref<1000000x64xf32, #tpu.memory_space<hbm>> -> memref<1x64xf32, #tpu.memory_space<hbm>>
      %dma_wait3A_569 = tpu.memref_squeeze %dma_wait3A_568 : memref<1x64xf32, #tpu.memory_space<hbm>> -> memref<64xf32, #tpu.memory_space<hbm>>
      %dma_wait3A_570 = arith.constant 0 : i32
      %dma_wait3A_571 = tpu.memref_slice %arg6[%dma_wait3A_563, %dma_wait3A_570] : memref<512x128xf32, #tpu.memory_space<vmem>> -> memref<1x64xf32, #tpu.memory_space<vmem>>
      %dma_wait3A_572 = tpu.memref_squeeze %dma_wait3A_571 : memref<1x64xf32, #tpu.memory_space<vmem>> -> memref<64xf32, #tpu.memory_space<vmem>>
      %dma_wait3A_573 = arith.constant 0 : i32
      %dma_wait3A_574 = tpu.memref_slice %arg3[%dma_wait3A_562, %dma_wait3A_573] : memref<1000000x64xf32, #tpu.memory_space<hbm>> -> memref<1x64xf32, #tpu.memory_space<hbm>>
      %dma_wait3A_575 = tpu.memref_squeeze %dma_wait3A_574 : memref<1x64xf32, #tpu.memory_space<hbm>> -> memref<64xf32, #tpu.memory_space<hbm>>
      tpu.wait_dma2 semaphore(%arg7 : memref<!tpu.dma_semaphore, #tpu.memory_space<semaphore_mem>>) src(%dma_wait3A_575 : memref<64xf32, #tpu.memory_space<hbm>>) dst(%dma_wait3A_572 : memref<64xf32, #tpu.memory_space<vmem>>)
      %dma_wait3A_576 = arith.constant 0 : i32
      %dma_wait3A_577 = arith.constant 0 : i32
      %dma_wait3A_578 = arith.constant 0 : i32
      %dma_wait3A_579 = tpu.memref_slice %arg6[%dma_wait3A_577, %dma_wait3A_578] : memref<512x128xf32, #tpu.memory_space<vmem>> -> memref<1x64xf32, #tpu.memory_space<vmem>>
      %dma_wait3A_580 = tpu.memref_squeeze %dma_wait3A_579 : memref<1x64xf32, #tpu.memory_space<vmem>> -> memref<64xf32, #tpu.memory_space<vmem>>
      %dma_wait3A_581 = arith.constant 0 : i32
      %dma_wait3A_582 = tpu.memref_slice %arg3[%dma_wait3A_576, %dma_wait3A_581] : memref<1000000x64xf32, #tpu.memory_space<hbm>> -> memref<1x64xf32, #tpu.memory_space<hbm>>
      %dma_wait3A_583 = tpu.memref_squeeze %dma_wait3A_582 : memref<1x64xf32, #tpu.memory_space<hbm>> -> memref<64xf32, #tpu.memory_space<hbm>>
      %dma_wait3A_584 = arith.constant 0 : i32
      %dma_wait3A_585 = tpu.memref_slice %arg6[%dma_wait3A_577, %dma_wait3A_584] : memref<512x128xf32, #tpu.memory_space<vmem>> -> memref<1x64xf32, #tpu.memory_space<vmem>>
      %dma_wait3A_586 = tpu.memref_squeeze %dma_wait3A_585 : memref<1x64xf32, #tpu.memory_space<vmem>> -> memref<64xf32, #tpu.memory_space<vmem>>
      %dma_wait3A_587 = arith.constant 0 : i32
      %dma_wait3A_588 = tpu.memref_slice %arg3[%dma_wait3A_576, %dma_wait3A_587] : memref<1000000x64xf32, #tpu.memory_space<hbm>> -> memref<1x64xf32, #tpu.memory_space<hbm>>
      %dma_wait3A_589 = tpu.memref_squeeze %dma_wait3A_588 : memref<1x64xf32, #tpu.memory_space<hbm>> -> memref<64xf32, #tpu.memory_space<hbm>>
      tpu.wait_dma2 semaphore(%arg7 : memref<!tpu.dma_semaphore, #tpu.memory_space<semaphore_mem>>) src(%dma_wait3A_589 : memref<64xf32, #tpu.memory_space<hbm>>) dst(%dma_wait3A_586 : memref<64xf32, #tpu.memory_space<vmem>>)
      %dma_wait3A_590 = arith.constant 0 : i32
      %dma_wait3A_591 = arith.constant 0 : i32
      %dma_wait3A_592 = arith.constant 0 : i32
      %dma_wait3A_593 = tpu.memref_slice %arg6[%dma_wait3A_591, %dma_wait3A_592] : memref<512x128xf32, #tpu.memory_space<vmem>> -> memref<1x64xf32, #tpu.memory_space<vmem>>
      %dma_wait3A_594 = tpu.memref_squeeze %dma_wait3A_593 : memref<1x64xf32, #tpu.memory_space<vmem>> -> memref<64xf32, #tpu.memory_space<vmem>>
      %dma_wait3A_595 = arith.constant 0 : i32
      %dma_wait3A_596 = tpu.memref_slice %arg3[%dma_wait3A_590, %dma_wait3A_595] : memref<1000000x64xf32, #tpu.memory_space<hbm>> -> memref<1x64xf32, #tpu.memory_space<hbm>>
      %dma_wait3A_597 = tpu.memref_squeeze %dma_wait3A_596 : memref<1x64xf32, #tpu.memory_space<hbm>> -> memref<64xf32, #tpu.memory_space<hbm>>
      %dma_wait3A_598 = arith.constant 0 : i32
      %dma_wait3A_599 = tpu.memref_slice %arg6[%dma_wait3A_591, %dma_wait3A_598] : memref<512x128xf32, #tpu.memory_space<vmem>> -> memref<1x64xf32, #tpu.memory_space<vmem>>
      %dma_wait3A_600 = tpu.memref_squeeze %dma_wait3A_599 : memref<1x64xf32, #tpu.memory_space<vmem>> -> memref<64xf32, #tpu.memory_space<vmem>>
      %dma_wait3A_601 = arith.constant 0 : i32
      %dma_wait3A_602 = tpu.memref_slice %arg3[%dma_wait3A_590, %dma_wait3A_601] : memref<1000000x64xf32, #tpu.memory_space<hbm>> -> memref<1x64xf32, #tpu.memory_space<hbm>>
      %dma_wait3A_603 = tpu.memref_squeeze %dma_wait3A_602 : memref<1x64xf32, #tpu.memory_space<hbm>> -> memref<64xf32, #tpu.memory_space<hbm>>
      tpu.wait_dma2 semaphore(%arg7 : memref<!tpu.dma_semaphore, #tpu.memory_space<semaphore_mem>>) src(%dma_wait3A_603 : memref<64xf32, #tpu.memory_space<hbm>>) dst(%dma_wait3A_600 : memref<64xf32, #tpu.memory_space<vmem>>)
      %dma_wait3A_604 = arith.constant 0 : i32
      %dma_wait3A_605 = arith.constant 0 : i32
      %dma_wait3A_606 = arith.constant 0 : i32
      %dma_wait3A_607 = tpu.memref_slice %arg6[%dma_wait3A_605, %dma_wait3A_606] : memref<512x128xf32, #tpu.memory_space<vmem>> -> memref<1x64xf32, #tpu.memory_space<vmem>>
      %dma_wait3A_608 = tpu.memref_squeeze %dma_wait3A_607 : memref<1x64xf32, #tpu.memory_space<vmem>> -> memref<64xf32, #tpu.memory_space<vmem>>
      %dma_wait3A_609 = arith.constant 0 : i32
      %dma_wait3A_610 = tpu.memref_slice %arg3[%dma_wait3A_604, %dma_wait3A_609] : memref<1000000x64xf32, #tpu.memory_space<hbm>> -> memref<1x64xf32, #tpu.memory_space<hbm>>
      %dma_wait3A_611 = tpu.memref_squeeze %dma_wait3A_610 : memref<1x64xf32, #tpu.memory_space<hbm>> -> memref<64xf32, #tpu.memory_space<hbm>>
      %dma_wait3A_612 = arith.constant 0 : i32
      %dma_wait3A_613 = tpu.memref_slice %arg6[%dma_wait3A_605, %dma_wait3A_612] : memref<512x128xf32, #tpu.memory_space<vmem>> -> memref<1x64xf32, #tpu.memory_space<vmem>>
      %dma_wait3A_614 = tpu.memref_squeeze %dma_wait3A_613 : memref<1x64xf32, #tpu.memory_space<vmem>> -> memref<64xf32, #tpu.memory_space<vmem>>
      %dma_wait3A_615 = arith.constant 0 : i32
      %dma_wait3A_616 = tpu.memref_slice %arg3[%dma_wait3A_604, %dma_wait3A_615] : memref<1000000x64xf32, #tpu.memory_space<hbm>> -> memref<1x64xf32, #tpu.memory_space<hbm>>
      %dma_wait3A_617 = tpu.memref_squeeze %dma_wait3A_616 : memref<1x64xf32, #tpu.memory_space<hbm>> -> memref<64xf32, #tpu.memory_space<hbm>>
      tpu.wait_dma2 semaphore(%arg7 : memref<!tpu.dma_semaphore, #tpu.memory_space<semaphore_mem>>) src(%dma_wait3A_617 : memref<64xf32, #tpu.memory_space<hbm>>) dst(%dma_wait3A_614 : memref<64xf32, #tpu.memory_space<vmem>>)
      %dma_wait3A_618 = arith.constant 0 : i32
      %dma_wait3A_619 = arith.constant 0 : i32
      %dma_wait3A_620 = arith.constant 0 : i32
      %dma_wait3A_621 = tpu.memref_slice %arg6[%dma_wait3A_619, %dma_wait3A_620] : memref<512x128xf32, #tpu.memory_space<vmem>> -> memref<1x64xf32, #tpu.memory_space<vmem>>
      %dma_wait3A_622 = tpu.memref_squeeze %dma_wait3A_621 : memref<1x64xf32, #tpu.memory_space<vmem>> -> memref<64xf32, #tpu.memory_space<vmem>>
      %dma_wait3A_623 = arith.constant 0 : i32
      %dma_wait3A_624 = tpu.memref_slice %arg3[%dma_wait3A_618, %dma_wait3A_623] : memref<1000000x64xf32, #tpu.memory_space<hbm>> -> memref<1x64xf32, #tpu.memory_space<hbm>>
      %dma_wait3A_625 = tpu.memref_squeeze %dma_wait3A_624 : memref<1x64xf32, #tpu.memory_space<hbm>> -> memref<64xf32, #tpu.memory_space<hbm>>
      %dma_wait3A_626 = arith.constant 0 : i32
      %dma_wait3A_627 = tpu.memref_slice %arg6[%dma_wait3A_619, %dma_wait3A_626] : memref<512x128xf32, #tpu.memory_space<vmem>> -> memref<1x64xf32, #tpu.memory_space<vmem>>
      %dma_wait3A_628 = tpu.memref_squeeze %dma_wait3A_627 : memref<1x64xf32, #tpu.memory_space<vmem>> -> memref<64xf32, #tpu.memory_space<vmem>>
      %dma_wait3A_629 = arith.constant 0 : i32
      %dma_wait3A_630 = tpu.memref_slice %arg3[%dma_wait3A_618, %dma_wait3A_629] : memref<1000000x64xf32, #tpu.memory_space<hbm>> -> memref<1x64xf32, #tpu.memory_space<hbm>>
      %dma_wait3A_631 = tpu.memref_squeeze %dma_wait3A_630 : memref<1x64xf32, #tpu.memory_space<hbm>> -> memref<64xf32, #tpu.memory_space<hbm>>
      tpu.wait_dma2 semaphore(%arg7 : memref<!tpu.dma_semaphore, #tpu.memory_space<semaphore_mem>>) src(%dma_wait3A_631 : memref<64xf32, #tpu.memory_space<hbm>>) dst(%dma_wait3A_628 : memref<64xf32, #tpu.memory_space<vmem>>)
      %dma_wait3A_632 = arith.constant 0 : i32
      %dma_wait3A_633 = arith.constant 0 : i32
      %dma_wait3A_634 = arith.constant 0 : i32
      %dma_wait3A_635 = tpu.memref_slice %arg6[%dma_wait3A_633, %dma_wait3A_634] : memref<512x128xf32, #tpu.memory_space<vmem>> -> memref<1x64xf32, #tpu.memory_space<vmem>>
      %dma_wait3A_636 = tpu.memref_squeeze %dma_wait3A_635 : memref<1x64xf32, #tpu.memory_space<vmem>> -> memref<64xf32, #tpu.memory_space<vmem>>
      %dma_wait3A_637 = arith.constant 0 : i32
      %dma_wait3A_638 = tpu.memref_slice %arg3[%dma_wait3A_632, %dma_wait3A_637] : memref<1000000x64xf32, #tpu.memory_space<hbm>> -> memref<1x64xf32, #tpu.memory_space<hbm>>
      %dma_wait3A_639 = tpu.memref_squeeze %dma_wait3A_638 : memref<1x64xf32, #tpu.memory_space<hbm>> -> memref<64xf32, #tpu.memory_space<hbm>>
      %dma_wait3A_640 = arith.constant 0 : i32
      %dma_wait3A_641 = tpu.memref_slice %arg6[%dma_wait3A_633, %dma_wait3A_640] : memref<512x128xf32, #tpu.memory_space<vmem>> -> memref<1x64xf32, #tpu.memory_space<vmem>>
      %dma_wait3A_642 = tpu.memref_squeeze %dma_wait3A_641 : memref<1x64xf32, #tpu.memory_space<vmem>> -> memref<64xf32, #tpu.memory_space<vmem>>
      %dma_wait3A_643 = arith.constant 0 : i32
      %dma_wait3A_644 = tpu.memref_slice %arg3[%dma_wait3A_632, %dma_wait3A_643] : memref<1000000x64xf32, #tpu.memory_space<hbm>> -> memref<1x64xf32, #tpu.memory_space<hbm>>
      %dma_wait3A_645 = tpu.memref_squeeze %dma_wait3A_644 : memref<1x64xf32, #tpu.memory_space<hbm>> -> memref<64xf32, #tpu.memory_space<hbm>>
      tpu.wait_dma2 semaphore(%arg7 : memref<!tpu.dma_semaphore, #tpu.memory_space<semaphore_mem>>) src(%dma_wait3A_645 : memref<64xf32, #tpu.memory_space<hbm>>) dst(%dma_wait3A_642 : memref<64xf32, #tpu.memory_space<vmem>>)
      %dma_wait3A_646 = arith.constant 0 : i32
      %dma_wait3A_647 = arith.constant 0 : i32
      %dma_wait3A_648 = arith.constant 0 : i32
      %dma_wait3A_649 = tpu.memref_slice %arg6[%dma_wait3A_647, %dma_wait3A_648] : memref<512x128xf32, #tpu.memory_space<vmem>> -> memref<1x64xf32, #tpu.memory_space<vmem>>
      %dma_wait3A_650 = tpu.memref_squeeze %dma_wait3A_649 : memref<1x64xf32, #tpu.memory_space<vmem>> -> memref<64xf32, #tpu.memory_space<vmem>>
      %dma_wait3A_651 = arith.constant 0 : i32
      %dma_wait3A_652 = tpu.memref_slice %arg3[%dma_wait3A_646, %dma_wait3A_651] : memref<1000000x64xf32, #tpu.memory_space<hbm>> -> memref<1x64xf32, #tpu.memory_space<hbm>>
      %dma_wait3A_653 = tpu.memref_squeeze %dma_wait3A_652 : memref<1x64xf32, #tpu.memory_space<hbm>> -> memref<64xf32, #tpu.memory_space<hbm>>
      %dma_wait3A_654 = arith.constant 0 : i32
      %dma_wait3A_655 = tpu.memref_slice %arg6[%dma_wait3A_647, %dma_wait3A_654] : memref<512x128xf32, #tpu.memory_space<vmem>> -> memref<1x64xf32, #tpu.memory_space<vmem>>
      %dma_wait3A_656 = tpu.memref_squeeze %dma_wait3A_655 : memref<1x64xf32, #tpu.memory_space<vmem>> -> memref<64xf32, #tpu.memory_space<vmem>>
      %dma_wait3A_657 = arith.constant 0 : i32
      %dma_wait3A_658 = tpu.memref_slice %arg3[%dma_wait3A_646, %dma_wait3A_657] : memref<1000000x64xf32, #tpu.memory_space<hbm>> -> memref<1x64xf32, #tpu.memory_space<hbm>>
      %dma_wait3A_659 = tpu.memref_squeeze %dma_wait3A_658 : memref<1x64xf32, #tpu.memory_space<hbm>> -> memref<64xf32, #tpu.memory_space<hbm>>
      tpu.wait_dma2 semaphore(%arg7 : memref<!tpu.dma_semaphore, #tpu.memory_space<semaphore_mem>>) src(%dma_wait3A_659 : memref<64xf32, #tpu.memory_space<hbm>>) dst(%dma_wait3A_656 : memref<64xf32, #tpu.memory_space<vmem>>)
      %dma_wait3A_660 = arith.constant 0 : i32
      %dma_wait3A_661 = arith.constant 0 : i32
      %dma_wait3A_662 = arith.constant 0 : i32
      %dma_wait3A_663 = tpu.memref_slice %arg6[%dma_wait3A_661, %dma_wait3A_662] : memref<512x128xf32, #tpu.memory_space<vmem>> -> memref<1x64xf32, #tpu.memory_space<vmem>>
      %dma_wait3A_664 = tpu.memref_squeeze %dma_wait3A_663 : memref<1x64xf32, #tpu.memory_space<vmem>> -> memref<64xf32, #tpu.memory_space<vmem>>
      %dma_wait3A_665 = arith.constant 0 : i32
      %dma_wait3A_666 = tpu.memref_slice %arg3[%dma_wait3A_660, %dma_wait3A_665] : memref<1000000x64xf32, #tpu.memory_space<hbm>> -> memref<1x64xf32, #tpu.memory_space<hbm>>
      %dma_wait3A_667 = tpu.memref_squeeze %dma_wait3A_666 : memref<1x64xf32, #tpu.memory_space<hbm>> -> memref<64xf32, #tpu.memory_space<hbm>>
      %dma_wait3A_668 = arith.constant 0 : i32
      %dma_wait3A_669 = tpu.memref_slice %arg6[%dma_wait3A_661, %dma_wait3A_668] : memref<512x128xf32, #tpu.memory_space<vmem>> -> memref<1x64xf32, #tpu.memory_space<vmem>>
      %dma_wait3A_670 = tpu.memref_squeeze %dma_wait3A_669 : memref<1x64xf32, #tpu.memory_space<vmem>> -> memref<64xf32, #tpu.memory_space<vmem>>
      %dma_wait3A_671 = arith.constant 0 : i32
      %dma_wait3A_672 = tpu.memref_slice %arg3[%dma_wait3A_660, %dma_wait3A_671] : memref<1000000x64xf32, #tpu.memory_space<hbm>> -> memref<1x64xf32, #tpu.memory_space<hbm>>
      %dma_wait3A_673 = tpu.memref_squeeze %dma_wait3A_672 : memref<1x64xf32, #tpu.memory_space<hbm>> -> memref<64xf32, #tpu.memory_space<hbm>>
      tpu.wait_dma2 semaphore(%arg7 : memref<!tpu.dma_semaphore, #tpu.memory_space<semaphore_mem>>) src(%dma_wait3A_673 : memref<64xf32, #tpu.memory_space<hbm>>) dst(%dma_wait3A_670 : memref<64xf32, #tpu.memory_space<vmem>>)
      %dma_wait3A_674 = arith.constant 0 : i32
      %dma_wait3A_675 = arith.constant 0 : i32
      %dma_wait3A_676 = arith.constant 0 : i32
      %dma_wait3A_677 = tpu.memref_slice %arg6[%dma_wait3A_675, %dma_wait3A_676] : memref<512x128xf32, #tpu.memory_space<vmem>> -> memref<1x64xf32, #tpu.memory_space<vmem>>
      %dma_wait3A_678 = tpu.memref_squeeze %dma_wait3A_677 : memref<1x64xf32, #tpu.memory_space<vmem>> -> memref<64xf32, #tpu.memory_space<vmem>>
      %dma_wait3A_679 = arith.constant 0 : i32
      %dma_wait3A_680 = tpu.memref_slice %arg3[%dma_wait3A_674, %dma_wait3A_679] : memref<1000000x64xf32, #tpu.memory_space<hbm>> -> memref<1x64xf32, #tpu.memory_space<hbm>>
      %dma_wait3A_681 = tpu.memref_squeeze %dma_wait3A_680 : memref<1x64xf32, #tpu.memory_space<hbm>> -> memref<64xf32, #tpu.memory_space<hbm>>
      %dma_wait3A_682 = arith.constant 0 : i32
      %dma_wait3A_683 = tpu.memref_slice %arg6[%dma_wait3A_675, %dma_wait3A_682] : memref<512x128xf32, #tpu.memory_space<vmem>> -> memref<1x64xf32, #tpu.memory_space<vmem>>
      %dma_wait3A_684 = tpu.memref_squeeze %dma_wait3A_683 : memref<1x64xf32, #tpu.memory_space<vmem>> -> memref<64xf32, #tpu.memory_space<vmem>>
      %dma_wait3A_685 = arith.constant 0 : i32
      %dma_wait3A_686 = tpu.memref_slice %arg3[%dma_wait3A_674, %dma_wait3A_685] : memref<1000000x64xf32, #tpu.memory_space<hbm>> -> memref<1x64xf32, #tpu.memory_space<hbm>>
      %dma_wait3A_687 = tpu.memref_squeeze %dma_wait3A_686 : memref<1x64xf32, #tpu.memory_space<hbm>> -> memref<64xf32, #tpu.memory_space<hbm>>
      tpu.wait_dma2 semaphore(%arg7 : memref<!tpu.dma_semaphore, #tpu.memory_space<semaphore_mem>>) src(%dma_wait3A_687 : memref<64xf32, #tpu.memory_space<hbm>>) dst(%dma_wait3A_684 : memref<64xf32, #tpu.memory_space<vmem>>)
      %dma_wait3A_688 = arith.constant 0 : i32
      %dma_wait3A_689 = arith.constant 0 : i32
      %dma_wait3A_690 = arith.constant 0 : i32
      %dma_wait3A_691 = tpu.memref_slice %arg6[%dma_wait3A_689, %dma_wait3A_690] : memref<512x128xf32, #tpu.memory_space<vmem>> -> memref<1x64xf32, #tpu.memory_space<vmem>>
      %dma_wait3A_692 = tpu.memref_squeeze %dma_wait3A_691 : memref<1x64xf32, #tpu.memory_space<vmem>> -> memref<64xf32, #tpu.memory_space<vmem>>
      %dma_wait3A_693 = arith.constant 0 : i32
      %dma_wait3A_694 = tpu.memref_slice %arg3[%dma_wait3A_688, %dma_wait3A_693] : memref<1000000x64xf32, #tpu.memory_space<hbm>> -> memref<1x64xf32, #tpu.memory_space<hbm>>
      %dma_wait3A_695 = tpu.memref_squeeze %dma_wait3A_694 : memref<1x64xf32, #tpu.memory_space<hbm>> -> memref<64xf32, #tpu.memory_space<hbm>>
      %dma_wait3A_696 = arith.constant 0 : i32
      %dma_wait3A_697 = tpu.memref_slice %arg6[%dma_wait3A_689, %dma_wait3A_696] : memref<512x128xf32, #tpu.memory_space<vmem>> -> memref<1x64xf32, #tpu.memory_space<vmem>>
      %dma_wait3A_698 = tpu.memref_squeeze %dma_wait3A_697 : memref<1x64xf32, #tpu.memory_space<vmem>> -> memref<64xf32, #tpu.memory_space<vmem>>
      %dma_wait3A_699 = arith.constant 0 : i32
      %dma_wait3A_700 = tpu.memref_slice %arg3[%dma_wait3A_688, %dma_wait3A_699] : memref<1000000x64xf32, #tpu.memory_space<hbm>> -> memref<1x64xf32, #tpu.memory_space<hbm>>
      %dma_wait3A_701 = tpu.memref_squeeze %dma_wait3A_700 : memref<1x64xf32, #tpu.memory_space<hbm>> -> memref<64xf32, #tpu.memory_space<hbm>>
      tpu.wait_dma2 semaphore(%arg7 : memref<!tpu.dma_semaphore, #tpu.memory_space<semaphore_mem>>) src(%dma_wait3A_701 : memref<64xf32, #tpu.memory_space<hbm>>) dst(%dma_wait3A_698 : memref<64xf32, #tpu.memory_space<vmem>>)
      %dma_wait3A_702 = arith.constant 0 : i32
      %dma_wait3A_703 = arith.constant 0 : i32
      %dma_wait3A_704 = arith.constant 0 : i32
      %dma_wait3A_705 = tpu.memref_slice %arg6[%dma_wait3A_703, %dma_wait3A_704] : memref<512x128xf32, #tpu.memory_space<vmem>> -> memref<1x64xf32, #tpu.memory_space<vmem>>
      %dma_wait3A_706 = tpu.memref_squeeze %dma_wait3A_705 : memref<1x64xf32, #tpu.memory_space<vmem>> -> memref<64xf32, #tpu.memory_space<vmem>>
      %dma_wait3A_707 = arith.constant 0 : i32
      %dma_wait3A_708 = tpu.memref_slice %arg3[%dma_wait3A_702, %dma_wait3A_707] : memref<1000000x64xf32, #tpu.memory_space<hbm>> -> memref<1x64xf32, #tpu.memory_space<hbm>>
      %dma_wait3A_709 = tpu.memref_squeeze %dma_wait3A_708 : memref<1x64xf32, #tpu.memory_space<hbm>> -> memref<64xf32, #tpu.memory_space<hbm>>
      %dma_wait3A_710 = arith.constant 0 : i32
      %dma_wait3A_711 = tpu.memref_slice %arg6[%dma_wait3A_703, %dma_wait3A_710] : memref<512x128xf32, #tpu.memory_space<vmem>> -> memref<1x64xf32, #tpu.memory_space<vmem>>
      %dma_wait3A_712 = tpu.memref_squeeze %dma_wait3A_711 : memref<1x64xf32, #tpu.memory_space<vmem>> -> memref<64xf32, #tpu.memory_space<vmem>>
      %dma_wait3A_713 = arith.constant 0 : i32
      %dma_wait3A_714 = tpu.memref_slice %arg3[%dma_wait3A_702, %dma_wait3A_713] : memref<1000000x64xf32, #tpu.memory_space<hbm>> -> memref<1x64xf32, #tpu.memory_space<hbm>>
      %dma_wait3A_715 = tpu.memref_squeeze %dma_wait3A_714 : memref<1x64xf32, #tpu.memory_space<hbm>> -> memref<64xf32, #tpu.memory_space<hbm>>
      tpu.wait_dma2 semaphore(%arg7 : memref<!tpu.dma_semaphore, #tpu.memory_space<semaphore_mem>>) src(%dma_wait3A_715 : memref<64xf32, #tpu.memory_space<hbm>>) dst(%dma_wait3A_712 : memref<64xf32, #tpu.memory_space<vmem>>)
    }
    %scan3A_487 = arith.constant 32 : i32
    "tpu.region"() ({
      %run_scoped3A = tpu.sem_alloc : memref<!tpu.dma_semaphore, #tpu.memory_space<semaphore_mem>>
      %dma_start3A_488 = arith.constant 0 : i32
      %dma_start3A_489 = tpu.memref_slice %arg4[%mul3A_2, %dma_start3A_488] : memref<16384x128xf32, #tpu.memory_space<hbm>> -> memref<512x128xf32, #tpu.memory_space<hbm>>
      %dma_start3A_490 = arith.constant 0 : i32
      %dma_start3A_491 = tpu.memref_slice %arg4[%mul3A_2, %dma_start3A_490] : memref<16384x128xf32, #tpu.memory_space<hbm>> -> memref<512x128xf32, #tpu.memory_space<hbm>>
      tpu.enqueue_dma source(%arg6 : memref<512x128xf32, #tpu.memory_space<vmem>>) target(%dma_start3A_491 : memref<512x128xf32, #tpu.memory_space<hbm>>) target_semaphore(%run_scoped3A : memref<!tpu.dma_semaphore, #tpu.memory_space<semaphore_mem>>)
      %dma_wait3A = arith.constant 0 : i32
      %dma_wait3A_492 = tpu.memref_slice %arg4[%mul3A_2, %dma_wait3A] : memref<16384x128xf32, #tpu.memory_space<hbm>> -> memref<512x128xf32, #tpu.memory_space<hbm>>
      %dma_wait3A_493 = arith.constant 0 : i32
      %dma_wait3A_494 = tpu.memref_slice %arg4[%mul3A_2, %dma_wait3A_493] : memref<16384x128xf32, #tpu.memory_space<hbm>> -> memref<512x128xf32, #tpu.memory_space<hbm>>
      tpu.wait_dma2 semaphore(%run_scoped3A : memref<!tpu.dma_semaphore, #tpu.memory_space<semaphore_mem>>) src(%arg6 : memref<512x128xf32, #tpu.memory_space<vmem>>) dst(%dma_wait3A_494 : memref<512x128xf32, #tpu.memory_space<hbm>>)
      tpu.yield
    }) : () -> ()
    return
  }
}

module attributes {stable_mosaic.version = 14 : i64} {
  func.func @body(%arg0: i32, %arg1: i32, %arg2: memref<1x2048xf32, #tpu.memory_space<vmem>>, %arg3: memref<1x4096xf32, #tpu.memory_space<vmem>>, %arg4: memref<4096x64xbf16, #tpu.memory_space<vmem>>, %arg5: memref<2048x128xf32, #tpu.memory_space<vmem>>, %arg6: memref<2048x64xf32, #tpu.memory_space<vmem>>) attributes {dimension_semantics = [#tpu.dimension_semantics<parallel>, #tpu.dimension_semantics<arbitrary>], iteration_bounds = array<i64: 8, 4>, scalar_prefetch = 0 : i64, scratch_operands = 0 : i64, tpu.core_type = #tpu.core_type<tc>, window_params = [{transform_indices = @transform_0, window_bounds = array<i64: 1, 2048>}, {transform_indices = @transform_1, window_bounds = array<i64: 1, 4096>}, {transform_indices = @transform_2, window_bounds = array<i64: 4096, 64>}, {transform_indices = @transform_3, window_bounds = array<i64: 2048, 128>}, {transform_indices = @transform_4, window_bounds = array<i64: 2048, 64>}]} {
    %get3A = arith.constant 0 : index
    %get3A_0 = arith.constant 0 : index
    %get3A_1 = vector.load %arg2[%get3A, %get3A_0] : memref<1x2048xf32, #tpu.memory_space<vmem>>, vector<1x2048xf32>
    %reshape3A = vector.shape_cast %get3A_1 : vector<1x2048xf32> to vector<2048x1xf32>
    %get3A_2 = arith.constant 0 : index
    %get3A_3 = arith.constant 0 : index
    %get3A_4 = vector.load %arg3[%get3A_2, %get3A_3] : memref<1x4096xf32, #tpu.memory_space<vmem>>, vector<1x4096xf32>
    %eq3A = vector.broadcast %reshape3A : vector<2048x1xf32> to vector<2048x4096xf32>
    %eq3A_5 = vector.broadcast %get3A_4 : vector<1x4096xf32> to vector<2048x4096xf32>
    %eq3A_6 = arith.cmpf oeq, %eq3A, %eq3A_5 : vector<2048x4096xf32>
    %convert_element_type3A = arith.extui %eq3A_6 : vector<2048x4096xi1> to vector<2048x4096xi32>
    %convert_element_type3A_7 = arith.sitofp %convert_element_type3A : vector<2048x4096xi32> to vector<2048x4096xf32>
    %convert_element_type3A_8 = arith.truncf %convert_element_type3A_7 : vector<2048x4096xf32> to vector<2048x4096xbf16>
    %get3A_9 = arith.constant 0 : index
    %get3A_10 = arith.constant 0 : index
    %get3A_11 = vector.load %arg4[%get3A_9, %get3A_10] : memref<4096x64xbf16, #tpu.memory_space<vmem>>, vector<4096x64xbf16>
    %dot_general3A = arith.constant dense<0.000000e+00> : vector<2048x64xf32>
    %dot_general3A_12 = tpu.matmul %convert_element_type3A_8, %get3A_11, %dot_general3A {dimension_numbers = #tpu.dot_dimension_numbers<[1], [0], [0], [1], [0, 0, 1, 1], [], []>, transpose_lhs_hint = false} : vector<2048x4096xbf16>, vector<4096x64xbf16>, vector<2048x64xf32> -> vector<2048x64xf32>
    %eq3A_13 = arith.constant 0 : i32
    %eq3A_14 = arith.cmpi eq, %arg1, %eq3A_13 : i32
    %convert_element_type3A_15 = arith.extui %eq3A_14 : i1 to i32
    %cond3A = arith.constant 0 : i32
    %cond3A_16 = arith.cmpi ne, %convert_element_type3A_15, %cond3A : i32
    scf.if %cond3A_16 {
      %get3A_21 = arith.constant 0 : index
      %get3A_22 = arith.constant 0 : index
      %get3A_23 = vector.load %arg5[%get3A_21, %get3A_22] : memref<2048x128xf32, #tpu.memory_space<vmem>>, vector<2048x64xf32>
      %add3A = arith.addf %get3A_23, %dot_general3A_12 : vector<2048x64xf32>
      %swap3A = arith.constant 0 : index
      %swap3A_24 = arith.constant 0 : index
      %swap3A_25 = vector.load %arg6[%swap3A, %swap3A_24] : memref<2048x64xf32, #tpu.memory_space<vmem>>, vector<2048x64xf32>
      tpu.vector_store %arg6[%swap3A, %swap3A_24], %add3A {strides = array<i32>} : memref<2048x64xf32, #tpu.memory_space<vmem>>, vector<2048x64xf32>,
    } else {
    }
    %gt3A = arith.constant 0 : i32
    %gt3A_17 = arith.cmpi sgt, %arg1, %gt3A : i32
    %convert_element_type3A_18 = arith.extui %gt3A_17 : i1 to i32
    %cond3A_19 = arith.constant 0 : i32
    %cond3A_20 = arith.cmpi ne, %convert_element_type3A_18, %cond3A_19 : i32
    scf.if %cond3A_20 {
      %get3A_21 = arith.constant 0 : index
      %get3A_22 = arith.constant 0 : index
      %get3A_23 = vector.load %arg6[%get3A_21, %get3A_22] : memref<2048x64xf32, #tpu.memory_space<vmem>>, vector<2048x64xf32>
      %add3A = arith.addf %get3A_23, %dot_general3A_12 : vector<2048x64xf32>
      %swap3A = arith.constant 0 : index
      %swap3A_24 = arith.constant 0 : index
      %swap3A_25 = vector.load %arg6[%swap3A, %swap3A_24] : memref<2048x64xf32, #tpu.memory_space<vmem>>, vector<2048x64xf32>
      tpu.vector_store %arg6[%swap3A, %swap3A_24], %add3A {strides = array<i32>} : memref<2048x64xf32, #tpu.memory_space<vmem>>, vector<2048x64xf32>,
    } else {
    }
    return
  }
  func.func @transform_0(%arg0: i32, %arg1: i32) -> (i32, i32) {
    %c0_i32 = arith.constant 0 : i32
    %c0_i32_0 = arith.constant 0 : i32
    return %c0_i32, %arg0 : i32, i32
  }
  func.func @transform_1(%arg0: i32, %arg1: i32) -> (i32, i32) {
    %c0_i32 = arith.constant 0 : i32
    %c0_i32_0 = arith.constant 0 : i32
    return %c0_i32, %arg1 : i32, i32
  }
  func.func @transform_2(%arg0: i32, %arg1: i32) -> (i32, i32) {
    %c0_i32 = arith.constant 0 : i32
    %c0_i32_0 = arith.constant 0 : i32
    return %arg1, %c0_i32 : i32, i32
  }
  func.func @transform_3(%arg0: i32, %arg1: i32) -> (i32, i32) {
    %c0_i32 = arith.constant 0 : i32
    %c0_i32_0 = arith.constant 0 : i32
    return %arg0, %c0_i32 : i32, i32
  }
  func.func @transform_4(%arg0: i32, %arg1: i32) -> (i32, i32) {
    %c0_i32 = arith.constant 0 : i32
    %c0_i32_0 = arith.constant 0 : i32
    return %arg0, %c0_i32 : i32, i32
  }
}

</mosaic_0001>

<sc_bundles>
// kernel: kernel.4.cloned.1.call-start
scs
__scs_entry_jumppad:
0x0: {  	(pc) =	sbr.rel $0x88, $3  }
0x1: {  	(tag) =	ssettag $0x0;
	lr =	simm.s32 $0x1  }
0x2: {  	[smem:$0x3F9D] =	sst lr;
	_ =	strace $0xD0000000  }
0x3: {  	_ = 	snop  }
0x4: {  	_ = 	snop  }
0x5: {  	_ = 	snop  }
0x6: {  	_ = 	snop  }
0x7: {  	_ = 	snop  }
__scs_overlays_trampoline_lowered:
0x8: {  	[smem:$0x3FAC] =	sst s0  }
0x9: {  	[smem:$0x3FAD] =	sst s1  }
0xa: {  	[smem:$0x3FAE] =	sst s2  }
0xb: {  	[smem:$0x3FAF] =	sst s3  }
0xc: {  	[smem:$0x3FB0] =	sst s4  }
0xd: {  	[smem:$0x3FB1] =	sst s5  }
0xe: {  	[smem:$0x3FB2] =	sst s6  }
0xf: {  	[smem:$0x3FB3] =	sst s7  }
0x10: {  	[smem:$0x3FB4] =	sst s8  }
0x11: {  	[smem:$0x3FB5] =	sst s9;
	s0 =	simm.s32 @!p0 $0x0  }
0x12: {  	s1 =	sld [smem:$0x3F9B];
	s0 =	simm.s32 @p0 $0x1  }
0x13: {  	[smem:$0x3FB6] =	sst s0;
	s0 =	simm.s32 @!p1 $0x0  }
0x14: {  	s2 =	sld [smem:$0x3F9A];
	s0 =	simm.s32 @p1 $0x1  }
0x15: {  	[smem:$0x3FB7] =	sst s0;
	s0 =	simm.s32 @!p2 $0x0  }
0x16: {  	s3 =	sld [smem:$0x3FDB];
	s0 =	simm.s32 @p2 $0x1  }
0x17: {  	s4 =	simm.s32 $0x1BF5;
	[smem:$0x3FB9] =	sst s0  }
0x18: {  	s0 =	sld [smem:$0x3F9C];
	_ =	swait.ge [sflag:s4], $0x0  }
0x19: {  	s7 =	sld [smem:$0x3F9D]  }
0x1a: {  	s8 =	sadd.s32 $0xFFFFE003, lr  }
0x1b: {  	s9 =	sadd.s32 $0xFFFFFEF7, lr;
	s5 =	simm.s32 $0xFFFFFFFF;
	p2 =	slt.u32 s8, $0xFFFFF086  }
0x1c: {  	p1 =	slt.u32 s9, $0xF7A;
	s5 =	simm.s32 @!p2 $0x0  }
0x1d: {  	s5 =	simm.s32 @p1 $0x1;
	p0 =	seq.s32 s7, s2  }
0x1e: {  	s7 =	smul.u32 @!p0 $0xF7A, s2;
	p2 =	seq.s32 @!p0 s5, $0x0  }
0x1f: {  	s9 =	smul.u32 $0xF7A, s1;
	s8 =	simm.s32 @!p0 $0x1BF5;
	p2 =	por !p2, p0  }
0x20: {  	[sflag:s8] =	ssyncset.s32 @!p0 $0xFFFFF086;
	s6 =	sadd.s32 @!p0 s3, s7;
	s7 =	simm.s32 @!p0 $0x108  }
0x21: {  	s3 =	sadd.s32 s3, s9;
	s6 =	sadd.s32 @!p0 $0x88, s6;
	s7 =	simm.s32 @p2 $0x1082  }
0x22: {  	[simem:s7], [sflag:s8] =	dma.local @!p0 [hbm:s6], $0xF7A  }
0x23: {  	s9 =	sor.u32 $0xD0000000, s2;
	s6 =	simm.s32 $0x108;
	_ =	swait.ge @!p0 [sflag:s8], $0x0  }
0x24: {  	s3 =	sadd.s32 $0x88, s3;
	s6 =	simm.s32 @!p1 $0x1082;
	[sflag:s4] =	ssyncset.s32 $0xFFFFF086  }
0x25: {  	[simem:s6], [sflag:s4] =	dma.local [hbm:s3], $0xF7A  }
0x26: {  	[smem:$0x3F9D] =	sst s1;
	(tag) =	ssettag s2;
	_ =	strace s9  }
0x27: {  	s1 =	sld [smem:$0x3FAD]  }
0x28: {  	s2 =	sld [smem:$0x3FAE]  }
0x29: {  	s4 =	sld [smem:$0x3FB0]  }
0x2a: {  	p0 =	seq.s32 s5, $0x0;
	s5 =	sld [smem:$0x3FB1]  }
0x2b: {  	s6 =	sld [smem:$0x3FB2]  }
0x2c: {  	s7 =	sld [smem:$0x3FB3]  }
0x2d: {  	s3 =	simm.s32 $0x108;
	s8 =	sld [smem:$0x3FB4]  }
0x2e: {  	s3 =	simm.s32 @!p0 $0x1082;
	s9 =	sld [smem:$0x3FB5]  }
0x2f: {  	lr =	sadd.s32 s0, s3;
	s0 =	sld [smem:$0x3FAC]  }
0x30: {  	s3 =	sld [smem:$0x3FAF]  }
0x31: {  	[smem:$0x3FB8] =	sst s10  }
0x32: {  	s10 =	sld [smem:$0x3FB6];
	_ =	sdelay $0x3  }
0x33: {  	p0 =	seq.s32 s10, $0x1;
	s10 =	sld [smem:$0x3FB8];
	_ =	sdelay $0x3  }
0x34: {  	[smem:$0x3FB8] =	sst s10  }
0x35: {  	s10 =	sld [smem:$0x3FB7];
	_ =	sdelay $0x3  }
0x36: {  	p1 =	seq.s32 s10, $0x1;
	s10 =	sld [smem:$0x3FB8];
	_ =	sdelay $0x3  }
0x37: {  	[smem:$0x3FB8] =	sst s10  }
0x38: {  	s10 =	sld [smem:$0x3FB9]  }
0x39: {  	_ = 	snop;
	(pc) =	sbr.ind lr, $3  }
0x3a: {  	_ = 	snop  }
0x3b: {  	_ = 	snop  }
0x3c: {  	p2 =	seq.s32 s10, $0x1;
	s10 =	sld [smem:$0x3FB8]  }
0x3d: {  	_ =	shalt  }
0x3e: {  	_ =	shalt  }
0x3f: {  	_ =	shalt  }
0x40: {  	_ =	shalt  }
0x41: {  	_ =	shalt  }
0x42: {  	_ =	shalt  }
0x43: {  	_ =	shalt  }
0x44: {  	_ =	shalt  }
0x45: {  	_ =	shalt  }
0x46: {  	_ =	shalt  }
0x47: {  	_ =	shalt  }
0x48: {  	_ =	shalt  }
0x49: {  	_ =	shalt  }
0x4a: {  	_ =	shalt  }
0x4b: {  	_ =	shalt  }
0x4c: {  	_ =	shalt  }
0x4d: {  	_ =	shalt  }
0x4e: {  	_ =	shalt  }
0x4f: {  	_ =	shalt  }
0x50: {  	_ =	shalt  }
0x51: {  	_ =	shalt  }
0x52: {  	_ =	shalt  }
0x53: {  	_ =	shalt  }
0x54: {  	_ =	shalt  }
0x55: {  	_ =	shalt  }
0x56: {  	_ =	shalt  }
0x57: {  	_ =	shalt  }
0x58: {  	_ =	shalt  }
0x59: {  	_ =	shalt  }
0x5a: {  	_ =	shalt  }
0x5b: {  	_ =	shalt  }
0x5c: {  	_ =	shalt  }
0x5d: {  	_ =	shalt  }
0x5e: {  	_ =	shalt  }
0x5f: {  	_ =	shalt  }
0x60: {  	_ =	shalt  }
0x61: {  	_ =	shalt  }
0x62: {  	_ =	shalt  }
0x63: {  	_ =	shalt  }
0x64: {  	_ =	shalt  }
0x65: {  	_ =	shalt  }
0x66: {  	_ =	shalt  }
0x67: {  	_ =	shalt  }
0x68: {  	_ =	shalt  }
0x69: {  	_ =	shalt  }
0x6a: {  	_ =	shalt  }
0x6b: {  	_ =	shalt  }
0x6c: {  	_ =	shalt  }
0x6d: {  	_ =	shalt  }
0x6e: {  	_ =	shalt  }
0x6f: {  	_ =	shalt  }
0x70: {  	_ =	shalt  }
0x71: {  	_ =	shalt  }
0x72: {  	_ =	shalt  }
0x73: {  	_ =	shalt  }
0x74: {  	_ =	shalt  }
0x75: {  	_ =	shalt  }
0x76: {  	_ =	shalt  }
0x77: {  	_ =	shalt  }
0x78: {  	_ =	shalt  }
0x79: {  	_ =	shalt  }
0x7a: {  	_ =	shalt  }
0x7b: {  	_ =	shalt  }
0x7c: {  	_ =	shalt  }
0x7d: {  	_ =	shalt  }
0x7e: {  	_ =	shalt  }
0x7f: {  	_ =	shalt  }
0x80: {  	_ =	shalt  }
0x81: {  	_ =	shalt  }
0x82: {  	_ =	shalt  }
0x83: {  	_ =	shalt  }
0x84: {  	_ =	shalt  }
0x85: {  	_ =	shalt  }
0x86: {  	_ =	shalt  }
0x87: {  	_ =	shalt  }
.Lfunc_end0:
.L_simem_size_0:
called_computation_lowered:
.L_overlay_start_0:
0x88: {  	s2 =	sld [smem:$0x3FD9]  }
0x89: {  	s3 =	sld [smem:$0x3FFE];
	_ =	sdelay $0x1  }
0x8a: {  	s1 =	srdreg.scid  }
0x8b: {  	s0 =	sand.u32 $0x1, s1  }
0x8c: {  	s17 =	sshll.u32 s0, $0xA;
	s2 =	sadd.s32 s3, s2  }
0x8d: {  	s2 =	sadd.s32 s2, s17  }
0x8e: {  	[smem:$0x3FC4] =	sst s2  }
0x8f: {  	_ = 	snop  }
0x90: {  	s2 =	sld [smem:$0x3FC6];
	(tm) =	ssettm $0x1  }
0x91: {  	s18 =	sld [smem:$0x3FFB];
	_ =	sdelay $0x3  }
0x92: {  	_ =	strace s18  }
0x93: {  	s3 =	sld [smem:$0x3FFC];
	_ =	sdelay $0x3  }
0x94: {  	_ =	strace s3  }
0x95: {  	s3 =	sld [smem:$0x3FFD];
	_ =	sdelay $0x3  }
0x96: {  	_ =	strace s3  }
0x97: {  	_ =	strace $0x8FFFFFFF  }
0x98: {  	s19 =	sld [smem:$0x3FDB];
	_ =	sdelay $0x1  }
0x99: {  	s4 =	simm.s32 $_scs_section_size  }
0x9a: {  	s5 =	simm.s32 $_size__tile_overlayer_lowered;
	s6 =	simm.s32 $_tile_overlayer_lowered  }
0x9b: {  	s22 =	simm.s32 $0x1BFF;
	s21 =	sshll.u32 s6, $0x1;
	s3 =	sadd.s32 s4, s19  }
0x9c: {  	s7 =	simm.s32 $0x0;
	s20 =	sshll.u32 s5, $0x1;
	s5 =	sadd.s32 s21, s3  }
0x9d: {  	[timem:s7], [sflag:s22] =	dma.local [hbm:s5], s20  }
0x9e: {  	_ =	swait.ge [sflag:s22], s20  }
0x9f: {  	s4 =	ssub.s32 $0x0, s20;
	[sflag:s22] =	ssyncset.done $0x0  }
0xa0: {  	[sflag:s22] =	ssyncadd.s32 s4;
	_ =	sdelay $0x1  }
0xa1: {  	s23 =	simm.s32 $0x1B8B  }
0xa2: {  	_ =	swait.ge [sflag:s23], $0x1  }
0xa3: {  	[sflag:s23] =	ssyncset.done $0x0  }
0xa4: {  	s25 =	simm.s32 $0x1B8E;
	s24 =	sld [smem:$0x3FFE];
	[sflag:s23] =	ssyncadd.s32 $0xFFFFFFFF  }
0xa5: {  	s26 =	simm.s32 $execute0_lowered;
	[smem:$0x3FD2] =	sst s25  }
0xa6: {  	s5 =	sshll.u32 s26, $0x1;
	_ =	strace $0x80000046;
	[dreg:$0x1] =	wrdreg $0xFFFFFFFF  }
0xa7: {  	s28 =	simm.s32 $_size_execute0_lowered;
	s3 =	sadd.s32 s3, s5;
	[dreg:$0x0] =	wrdreg $0x0  }
0xa8: {  	s5 =	sshll.u32 s28, $0x1;
	[dreg:$0x2] =	wrdreg s3  }
0xa9: {  	[dreg:$0x3] =	wrdreg s5  }
0xaa: {  	[dreg:$0x4] =	wrdreg $0xC0  }
0xab: {  	_ =	task [dreg:s7], $0x5FFFF  }
0xac: {  	[dreg:$0x1] =	wrdreg $0xFFFFFFFF  }
0xad: {  	[dreg:$0x0] =	wrdreg $0x60  }
0xae: {  	[dreg:$0x2] =	wrdreg s2  }
0xaf: {  	[dreg:$0x3] =	wrdreg s24  }
0xb0: {  	[dreg:$0x4] =	wrdreg $0x9  }
0xb1: {  	_ =	task.clear_ibuf [dreg:s7], $0x5FFFF;
	_ =	strace $0x90000046  }
0xb2: {  	s29 =	simm.s32 $0x9;
	_ =	strace $0x80000048  }
0xb3: {  	_ =	swait.ge [sflag:s29], $0x1  }
0xb4: {  	[sflag:s29] =	ssyncadd.s32 $0xFFFFFFFF  }
0xb5: {  	_ =	strace $0x90000048  }
0xb6: {  	_ =	sfence  }
0xb7: {  	s30 =	sld [smem:$0x0];
	_ =	sdelay $0x2  }
0xb8: {  	s31 =	sshll.u32 s1, $0xD;
	s1 =	sshrl.u32 s1, $0x2  }
0xb9: {  	s3 =	sand.u32 $0x4000, s31;
	s1 =	sadd.s32 s1, s30  }
0xba: {  	s0 =	sor.u32 s3, s0;
	s1 =	sshll.u32 s1, $0x11  }
0xbb: {  	s0 =	sor.u32 s1, s0  }
0xbc: {  	s0 =	sadd.s32 $0x8F2B, s0  }
0xbd: {  	[sflag:s0] =	ssyncadd.remote.s32 $0x1  }
0xbe: {  	_ =	sfence.sel $0xFFFF  }
0xbf: {  	[dreg:$0x0] =	wrdreg $0xFFFFFFFF;
	(pc) =	sbr.abs _section_cstart, $3  }
0xc0: {  	[dreg:$0x1] =	wrdreg $0xFFFFFFFF  }
0xc1: {  	_ =	task.clear_ibuf [dreg:s7], $0x2FFFF;
	_ =	strace $0x9FFFFFFF  }
0xc2: {  	(tm) =	ssettm $0x7FFFFFFF  }
0xc3: {  	_ =	shalt  }
tec
execute0_lowered:
.L_overlay_start_1:
0x0: {  	(tag) =	ssettag $0x1  }
0x1: {  	s0 =	rddreg [dreg:$0x0]  }
0x2: {  	s1 =	rddreg [dreg:$0x1];
	s3 =	srdreg.scid  }
0x3: {  	s2 =	simm.s32 $0x0;
	s4 =	stileid.u32;
	s8 =	simm.s32 $0x80  }
0x4: {  	s9 =	simm.s32 $0x400;
	s10 =	simm.s32 $0x200;
	s28 =	simm.s32 $0xB00  }
0x5: {  	s29 =	simm.s32 $0xB80;
	s30 =	simm.s32 $0xC00;
	s31 =	simm.s32 $0xC80  }
0x6: {  	s11 =	simm.s32 $0xE80;
	s12 =	simm.s32 $0xF80;
	s13 =	simm.s32 $0x1080  }
0x7: {  	s14 =	simm.s32 $0x1100;
	s15 =	simm.s32 $0x1180;
	s16 =	simm.s32 $0x1  }
0x8: {  	s17 =	simm.s32 $0x0;
	s3 =	sand.u32 $0x1, s3;
	[smem:$0x7FF] =	sst s2  }
0x9: {  	s4 =	sshll.u32 s4, $0xA;
	s5 =	sshll.u32 s3, $0x9;
	s24 =	ssub.s32 $0x2, s3  }
0xa: {  	_ =	strace $0x80000047;
	s4 =	sor.u32 s5, s4;
	s7 =	sshrl.u32 s24, $0x1  }
0xb: {  	s3 =	sadd.s32 $0xC00, s1;
	s6 =	sshll.u32 s4, $0x4;
	s5 =	ssub.s32 s24, s7  }
0xc: {  	s4 =	sshrl.u32 s4, $0x3;
	s7 =	simm.s32 $0x2;
	s24 =	simm.s32 $0x980  }
.Ltmp0:
0xd: {  	s1 =	sadd.s32 s6, s1;
	s0 =	sadd.s32 s0, s4;
	(pc) =	sbr.rel .LBB2_1-.Ltmp0, $4  }
0xe: {  	s26 =	smax.u32 s5, $0x1;
	s4 =	simm.s32 $0xE00;
	s5 =	simm.s32 $0xF00  }
0xf: {  	s6 =	simm.s32 $0x1000;
	[dreg:$0x3] =	wrdreg s0;
	s25 =	sadd.s32 $0xF43000, s1  }
0x10: {  	[dreg:$0x5] =	wrdreg s26;
	s26 =	simm.s32 $0xA80;
	s0 =	simm.s32 $0xD00  }
0x11: {  	s1 =	simm.s32 $0xD80;
	[dreg:$0x4] =	wrdreg s25;
	s25 =	simm.s32 $0xA00  }
.LBB2_5:
0x12: {  	s18 =	rddreg [dreg:$0x4]  }
0x13: {  	[hbm4b:s18+s2] =	stream.linear.scatter [tilespmem:s10], [sflag:$0x2], $0x10000, $0x38;
	[tilespmem:$0x10200] =	vst v63  }
0x14: {  	_ =	swait.ge [sflag:s7], $0x10000  }
0x15: {  	s17 =	sadd.s32 $0x1, s17;
	s23 =	rddreg [dreg:$0x5]  }
0x16: {  	p0 =	sne.s32 s17, s23  }
.Ltmp1:
0x17: {  	_ = 	snop;
	(pc) =	sbr.rel @!p0 .LBB2_6-.Ltmp1, $3  }
0x18: {  	_ =	sdelay $0x1  }
0x19: {  	[sflag:s7] =	ssyncset.done $0x0  }
0x1a: {  	[sflag:s7] =	ssyncadd.s32 $0xFFFF0000  }
.LBB2_1:
0x1b: {  	s18 =	rddreg [dreg:$0x3]  }
0x1c: {  	[tilespmem:s2], [sflag:$0x2] =	stream.linear.gather [hbm4b:s18+s2], $0x200, $0x38;
	[tilespmem:$0x10200] =	vst v63  }
0x1d: {  	_ =	swait.ge [sflag:s7], $0x200  }
0x1e: {  	[sflag:s7] =	ssyncset.done $0x0  }
0x1f: {  	[sflag:s7] =	ssyncadd.s32 $0xFFFFFE00  }
0x20: {  	v0 =	vld [tilespmem:$0x0];
	_ =	sdelay $0x4  }
0x21: {  	v0 =	vshll.u32 v0, $0x4  }
0x22: {  	(v2sf) =	vpush v0, $0x0;
	_ =	sdelay $0x3  }
0x23: {  	(v2sf) =	vpush v0, $0x1;
	_ =	sdelay $0x4  }
0x24: {  	(v2sf) =	vpush v0, $0x2;
	_ =	sdelay $0x5  }
0x25: {  	s23 =	spop (v2sf)  }
0x26: {  	(v2sf) =	vpush v0, $0x3;
	s18 =	sand.u32 $0x1FFFFFF0, s23  }
0x27: {  	s18 =	sadd.s32 s3, s18  }
0x28: {  	[tilespmem:s10], [sflag:$0x1] =	stream.strided.gather [hbm4b:s18+s8], $0x0, s9, s8, $0x38;
	[tilespmem:$0x10200] =	vst v63  }
0x29: {  	s19 =	spop (v2sf)  }
0x2a: {  	(v2sf) =	vpush v0, $0x4;
	[tilespmem:s10], [sflag:$0x1] =	stream.linear.gather [hbm4b:s18+s2], $0x40, $0x38;
	[tilespmem:$0x10200] =	vst v63  }
0x2b: {  	s18 =	sand.u32 $0x1FFFFFF0, s19  }
0x2c: {  	s19 =	simm.s32 $0x280;
	s18 =	sadd.s32 s3, s18  }
0x2d: {  	[tilespmem:s19], [sflag:$0x1] =	stream.strided.gather [hbm4b:s18+s8], $0x0, s9, s8, $0x38;
	[tilespmem:$0x10200] =	vst v63  }
0x2e: {  	s20 =	spop (v2sf)  }
0x2f: {  	(v2sf) =	vpush v0, $0x5;
	[tilespmem:s19], [sflag:$0x1] =	stream.linear.gather [hbm4b:s18+s2], $0x40, $0x38;
	[tilespmem:$0x10200] =	vst v63  }
0x30: {  	s18 =	sand.u32 $0x1FFFFFF0, s20  }
0x31: {  	s21 =	simm.s32 $0x300;
	s18 =	sadd.s32 s3, s18  }
0x32: {  	[tilespmem:s21], [sflag:$0x1] =	stream.strided.gather [hbm4b:s18+s8], $0x0, s9, s8, $0x38;
	[tilespmem:$0x10200] =	vst v63  }
0x33: {  	_ = 	snop  }
0x34: {  	[tilespmem:s21], [sflag:$0x1] =	stream.linear.gather [hbm4b:s18+s2], $0x40, $0x38;
	[tilespmem:$0x10200] =	vst v63  }
0x35: {  	s22 =	spop (v2sf)  }
0x36: {  	(v2sf) =	vpush v0, $0x6;
	s18 =	sand.u32 $0x1FFFFFF0, s22  }
0x37: {  	s23 =	simm.s32 $0x380;
	s18 =	sadd.s32 s3, s18  }
0x38: {  	[tilespmem:s23], [sflag:$0x1] =	stream.strided.gather [hbm4b:s18+s8], $0x0, s9, s8, $0x38;
	[tilespmem:$0x10200] =	vst v63  }
0x39: {  	s19 =	spop (v2sf)  }
0x3a: {  	(v2sf) =	vpush v0, $0x7;
	[tilespmem:s23], [sflag:$0x1] =	stream.linear.gather [hbm4b:s18+s2], $0x40, $0x38;
	[tilespmem:$0x10200] =	vst v63  }
0x3b: {  	s18 =	sand.u32 $0x1FFFFFF0, s19  }
0x3c: {  	s18 =	sadd.s32 s3, s18  }
0x3d: {  	[tilespmem:s9], [sflag:$0x1] =	stream.strided.gather [hbm4b:s18+s8], $0x0, s9, s8, $0x38;
	[tilespmem:$0x10200] =	vst v63  }
0x3e: {  	s20 =	spop (v2sf)  }
0x3f: {  	(v2sf) =	vpush v0, $0x8;
	[tilespmem:s9], [sflag:$0x1] =	stream.linear.gather [hbm4b:s18+s2], $0x40, $0x38;
	[tilespmem:$0x10200] =	vst v63  }
0x40: {  	s18 =	sand.u32 $0x1FFFFFF0, s20  }
0x41: {  	s21 =	simm.s32 $0x480;
	s18 =	sadd.s32 s3, s18  }
0x42: {  	[tilespmem:s21], [sflag:$0x1] =	stream.strided.gather [hbm4b:s18+s8], $0x0, s9, s8, $0x38;
	[tilespmem:$0x10200] =	vst v63  }
0x43: {  	_ = 	snop  }
0x44: {  	[tilespmem:s21], [sflag:$0x1] =	stream.linear.gather [hbm4b:s18+s2], $0x40, $0x38;
	[tilespmem:$0x10200] =	vst v63  }
0x45: {  	s22 =	spop (v2sf)  }
0x46: {  	(v2sf) =	vpush v0, $0x9;
	s18 =	sand.u32 $0x1FFFFFF0, s22  }
0x47: {  	s23 =	simm.s32 $0x500;
	s18 =	sadd.s32 s3, s18  }
0x48: {  	[tilespmem:s23], [sflag:$0x1] =	stream.strided.gather [hbm4b:s18+s8], $0x0, s9, s8, $0x38;
	[tilespmem:$0x10200] =	vst v63  }
0x49: {  	s20 =	spop (v2sf)  }
0x4a: {  	(v2sf) =	vpush v0, $0xA;
	[tilespmem:s23], [sflag:$0x1] =	stream.linear.gather [hbm4b:s18+s2], $0x40, $0x38;
	[tilespmem:$0x10200] =	vst v63  }
0x4b: {  	s18 =	sand.u32 $0x1FFFFFF0, s20  }
0x4c: {  	s21 =	simm.s32 $0x580;
	s18 =	sadd.s32 s3, s18  }
0x4d: {  	[tilespmem:s21], [sflag:$0x1] =	stream.strided.gather [hbm4b:s18+s8], $0x0, s9, s8, $0x38;
	[tilespmem:$0x10200] =	vst v63  }
0x4e: {  	s22 =	spop (v2sf)  }
0x4f: {  	(v2sf) =	vpush v0, $0xB;
	[tilespmem:s21], [sflag:$0x1] =	stream.linear.gather [hbm4b:s18+s2], $0x40, $0x38;
	[tilespmem:$0x10200] =	vst v63  }
0x50: {  	s18 =	sand.u32 $0x1FFFFFF0, s22  }
0x51: {  	s23 =	simm.s32 $0x600;
	s18 =	sadd.s32 s3, s18  }
0x52: {  	[tilespmem:s23], [sflag:$0x1] =	stream.strided.gather [hbm4b:s18+s8], $0x0, s9, s8, $0x38;
	[tilespmem:$0x10200] =	vst v63  }
0x53: {  	_ = 	snop  }
0x54: {  	[tilespmem:s23], [sflag:$0x1] =	stream.linear.gather [hbm4b:s18+s2], $0x40, $0x38;
	[tilespmem:$0x10200] =	vst v63  }
0x55: {  	s20 =	spop (v2sf)  }
0x56: {  	(v2sf) =	vpush v0, $0xC;
	s18 =	sand.u32 $0x1FFFFFF0, s20  }
0x57: {  	s21 =	simm.s32 $0x680;
	s18 =	sadd.s32 s3, s18  }
0x58: {  	[tilespmem:s21], [sflag:$0x1] =	stream.strided.gather [hbm4b:s18+s8], $0x0, s9, s8, $0x38;
	[tilespmem:$0x10200] =	vst v63  }
0x59: {  	s22 =	spop (v2sf)  }
0x5a: {  	(v2sf) =	vpush v0, $0xD;
	[tilespmem:s21], [sflag:$0x1] =	stream.linear.gather [hbm4b:s18+s2], $0x40, $0x38;
	[tilespmem:$0x10200] =	vst v63  }
0x5b: {  	s18 =	sand.u32 $0x1FFFFFF0, s22  }
0x5c: {  	s23 =	simm.s32 $0x700;
	s18 =	sadd.s32 s3, s18  }
0x5d: {  	[tilespmem:s23], [sflag:$0x1] =	stream.strided.gather [hbm4b:s18+s8], $0x0, s9, s8, $0x38;
	[tilespmem:$0x10200] =	vst v63  }
0x5e: {  	s20 =	spop (v2sf)  }
0x5f: {  	(v2sf) =	vpush v0, $0xE;
	[tilespmem:s23], [sflag:$0x1] =	stream.linear.gather [hbm4b:s18+s2], $0x40, $0x38;
	[tilespmem:$0x10200] =	vst v63  }
0x60: {  	s18 =	sand.u32 $0x1FFFFFF0, s20  }
0x61: {  	s21 =	simm.s32 $0x780;
	s18 =	sadd.s32 s3, s18  }
0x62: {  	[tilespmem:s21], [sflag:$0x1] =	stream.strided.gather [hbm4b:s18+s8], $0x0, s9, s8, $0x38;
	[tilespmem:$0x10200] =	vst v63  }
0x63: {  	_ = 	snop  }
0x64: {  	[tilespmem:s21], [sflag:$0x1] =	stream.linear.gather [hbm4b:s18+s2], $0x40, $0x38;
	[tilespmem:$0x10200] =	vst v63  }
0x65: {  	s22 =	spop (v2sf)  }
0x66: {  	(v2sf) =	vpush v0, $0xF;
	s18 =	sand.u32 $0x1FFFFFF0, s22  }
0x67: {  	s23 =	simm.s32 $0x800;
	s18 =	sadd.s32 s3, s18  }
0x68: {  	[tilespmem:s23], [sflag:$0x1] =	stream.strided.gather [hbm4b:s18+s8], $0x0, s9, s8, $0x38;
	[tilespmem:$0x10200] =	vst v63  }
0x69: {  	s20 =	spop (v2sf)  }
0x6a: {  	[tilespmem:s23], [sflag:$0x1] =	stream.linear.gather [hbm4b:s18+s2], $0x40, $0x38;
	[tilespmem:$0x10200] =	vst v63  }
0x6b: {  	s18 =	sand.u32 $0x1FFFFFF0, s20  }
0x6c: {  	s21 =	simm.s32 $0x880;
	s18 =	sadd.s32 s3, s18  }
0x6d: {  	[tilespmem:s21], [sflag:$0x1] =	stream.strided.gather [hbm4b:s18+s8], $0x0, s9, s8, $0x38;
	[tilespmem:$0x10200] =	vst v63  }
0x6e: {  	s22 =	spop (v2sf)  }
0x6f: {  	[tilespmem:s21], [sflag:$0x1] =	stream.linear.gather [hbm4b:s18+s2], $0x40, $0x38;
	[tilespmem:$0x10200] =	vst v63  }
0x70: {  	s18 =	sand.u32 $0x1FFFFFF0, s22  }
0x71: {  	s23 =	simm.s32 $0x900;
	s18 =	sadd.s32 s3, s18  }
0x72: {  	[tilespmem:s23], [sflag:$0x1] =	stream.strided.gather [hbm4b:s18+s8], $0x0, s9, s8, $0x38;
	[tilespmem:$0x10200] =	vst v63  }
0x73: {  	_ = 	snop  }
0x74: {  	[tilespmem:s23], [sflag:$0x1] =	stream.linear.gather [hbm4b:s18+s2], $0x40, $0x38;
	[tilespmem:$0x10200] =	vst v63  }
0x75: {  	s19 =	spop (v2sf)  }
0x76: {  	s18 =	sand.u32 $0x1FFFFFF0, s19  }
0x77: {  	s18 =	sadd.s32 s3, s18  }
0x78: {  	[tilespmem:s24], [sflag:$0x1] =	stream.strided.gather [hbm4b:s18+s8], $0x0, s9, s8, $0x38;
	[tilespmem:$0x10200] =	vst v63  }
0x79: {  	_ = 	snop  }
0x7a: {  	[tilespmem:s24], [sflag:$0x1] =	stream.linear.gather [hbm4b:s18+s2], $0x40, $0x38;
	[tilespmem:$0x10200] =	vst v63  }
0x7b: {  	v63 =	vld [tilespmem:$0x10];
	_ =	sdelay $0x4  }
0x7c: {  	v0 =	vshll.u32 v63, $0x4  }
0x7d: {  	(v2sf) =	vpush v0, $0x0;
	_ =	sdelay $0x2  }
0x7e: {  	(v2sf) =	vpush v0, $0x1;
	_ =	sdelay $0x3  }
0x7f: {  	(v2sf) =	vpush v0, $0x2;
	_ =	sdelay $0x7  }
0x80: {  	s20 =	spop (v2sf);
	(v2sf) =	vpush v0, $0x3;
	_ =	sdelay $0x1  }
0x81: {  	s18 =	sand.u32 $0x1FFFFFF0, s20  }
0x82: {  	s21 =	spop (v2sf);
	(v2sf) =	vpush v0, $0x4;
	s18 =	sadd.s32 s3, s18  }
0x83: {  	[tilespmem:s25], [sflag:$0x1] =	stream.strided.gather [hbm4b:s18+s8], $0x0, s9, s8, $0x38;
	[tilespmem:$0x10200] =	vst v63  }
0x84: {  	_ = 	snop  }
0x85: {  	[tilespmem:s25], [sflag:$0x1] =	stream.linear.gather [hbm4b:s18+s2], $0x40, $0x38;
	[tilespmem:$0x10200] =	vst v63  }
0x86: {  	s22 =	spop (v2sf);
	(v2sf) =	vpush v0, $0x5;
	s18 =	sand.u32 $0x1FFFFFF0, s21  }
0x87: {  	s18 =	sadd.s32 s3, s18  }
0x88: {  	[tilespmem:s26], [sflag:$0x1] =	stream.strided.gather [hbm4b:s18+s8], $0x0, s9, s8, $0x38;
	[tilespmem:$0x10200] =	vst v63  }
0x89: {  	_ = 	snop  }
0x8a: {  	[tilespmem:s26], [sflag:$0x1] =	stream.linear.gather [hbm4b:s18+s2], $0x40, $0x38;
	[tilespmem:$0x10200] =	vst v63  }
0x8b: {  	s18 =	sand.u32 $0x1FFFFFF0, s22  }
0x8c: {  	s18 =	sadd.s32 s3, s18  }
0x8d: {  	[tilespmem:s28], [sflag:$0x1] =	stream.strided.gather [hbm4b:s18+s8], $0x0, s9, s8, $0x38;
	[tilespmem:$0x10200] =	vst v63  }
0x8e: {  	s23 =	spop (v2sf);
	(v2sf) =	vpush v0, $0x6  }
0x8f: {  	[tilespmem:s28], [sflag:$0x1] =	stream.linear.gather [hbm4b:s18+s2], $0x40, $0x38;
	[tilespmem:$0x10200] =	vst v63  }
0x90: {  	s18 =	sand.u32 $0x1FFFFFF0, s23  }
0x91: {  	s19 =	spop (v2sf);
	(v2sf) =	vpush v0, $0x7;
	s18 =	sadd.s32 s3, s18  }
0x92: {  	[tilespmem:s29], [sflag:$0x1] =	stream.strided.gather [hbm4b:s18+s8], $0x0, s9, s8, $0x38;
	[tilespmem:$0x10200] =	vst v63  }
0x93: {  	_ = 	snop  }
0x94: {  	[tilespmem:s29], [sflag:$0x1] =	stream.linear.gather [hbm4b:s18+s2], $0x40, $0x38;
	[tilespmem:$0x10200] =	vst v63  }
0x95: {  	s20 =	spop (v2sf);
	(v2sf) =	vpush v0, $0x8;
	s18 =	sand.u32 $0x1FFFFFF0, s19  }
0x96: {  	s18 =	sadd.s32 s3, s18  }
0x97: {  	[tilespmem:s30], [sflag:$0x1] =	stream.strided.gather [hbm4b:s18+s8], $0x0, s9, s8, $0x38;
	[tilespmem:$0x10200] =	vst v63  }
0x98: {  	_ = 	snop  }
0x99: {  	[tilespmem:s30], [sflag:$0x1] =	stream.linear.gather [hbm4b:s18+s2], $0x40, $0x38;
	[tilespmem:$0x10200] =	vst v63  }
0x9a: {  	s18 =	sand.u32 $0x1FFFFFF0, s20  }
0x9b: {  	s18 =	sadd.s32 s3, s18  }
0x9c: {  	[tilespmem:s31], [sflag:$0x1] =	stream.strided.gather [hbm4b:s18+s8], $0x0, s9, s8, $0x38;
	[tilespmem:$0x10200] =	vst v63  }
0x9d: {  	s21 =	spop (v2sf);
	(v2sf) =	vpush v0, $0x9  }
0x9e: {  	[tilespmem:s31], [sflag:$0x1] =	stream.linear.gather [hbm4b:s18+s2], $0x40, $0x38;
	[tilespmem:$0x10200] =	vst v63  }
0x9f: {  	s18 =	sand.u32 $0x1FFFFFF0, s21  }
0xa0: {  	s22 =	spop (v2sf);
	(v2sf) =	vpush v0, $0xA;
	s18 =	sadd.s32 s3, s18  }
0xa1: {  	[tilespmem:s0], [sflag:$0x1] =	stream.strided.gather [hbm4b:s18+s8], $0x0, s9, s8, $0x38;
	[tilespmem:$0x10200] =	vst v63  }
0xa2: {  	_ = 	snop  }
0xa3: {  	[tilespmem:s0], [sflag:$0x1] =	stream.linear.gather [hbm4b:s18+s2], $0x40, $0x38;
	[tilespmem:$0x10200] =	vst v63  }
0xa4: {  	s23 =	spop (v2sf);
	(v2sf) =	vpush v0, $0xB;
	s18 =	sand.u32 $0x1FFFFFF0, s22  }
0xa5: {  	s18 =	sadd.s32 s3, s18  }
0xa6: {  	[tilespmem:s1], [sflag:$0x1] =	stream.strided.gather [hbm4b:s18+s8], $0x0, s9, s8, $0x38;
	[tilespmem:$0x10200] =	vst v63  }
0xa7: {  	_ = 	snop  }
0xa8: {  	[tilespmem:s1], [sflag:$0x1] =	stream.linear.gather [hbm4b:s18+s2], $0x40, $0x38;
	[tilespmem:$0x10200] =	vst v63  }
0xa9: {  	s18 =	sand.u32 $0x1FFFFFF0, s23  }
0xaa: {  	s18 =	sadd.s32 s3, s18  }
0xab: {  	[tilespmem:s4], [sflag:$0x1] =	stream.strided.gather [hbm4b:s18+s8], $0x0, s9, s8, $0x38;
	[tilespmem:$0x10200] =	vst v63  }
0xac: {  	s19 =	spop (v2sf);
	(v2sf) =	vpush v0, $0xC  }
0xad: {  	[tilespmem:s4], [sflag:$0x1] =	stream.linear.gather [hbm4b:s18+s2], $0x40, $0x38;
	[tilespmem:$0x10200] =	vst v63  }
0xae: {  	s18 =	sand.u32 $0x1FFFFFF0, s19  }
0xaf: {  	s20 =	spop (v2sf);
	(v2sf) =	vpush v0, $0xD;
	s18 =	sadd.s32 s3, s18  }
0xb0: {  	[tilespmem:s11], [sflag:$0x1] =	stream.strided.gather [hbm4b:s18+s8], $0x0, s9, s8, $0x38;
	[tilespmem:$0x10200] =	vst v63  }
0xb1: {  	_ = 	snop  }
0xb2: {  	[tilespmem:s11], [sflag:$0x1] =	stream.linear.gather [hbm4b:s18+s2], $0x40, $0x38;
	[tilespmem:$0x10200] =	vst v63  }
0xb3: {  	s21 =	spop (v2sf);
	(v2sf) =	vpush v0, $0xE;
	s18 =	sand.u32 $0x1FFFFFF0, s20  }
0xb4: {  	s18 =	sadd.s32 s3, s18  }
0xb5: {  	[tilespmem:s5], [sflag:$0x1] =	stream.strided.gather [hbm4b:s18+s8], $0x0, s9, s8, $0x38;
	[tilespmem:$0x10200] =	vst v63  }
0xb6: {  	_ = 	snop  }
0xb7: {  	[tilespmem:s5], [sflag:$0x1] =	stream.linear.gather [hbm4b:s18+s2], $0x40, $0x38;
	[tilespmem:$0x10200] =	vst v63  }
0xb8: {  	s18 =	sand.u32 $0x1FFFFFF0, s21  }
0xb9: {  	s18 =	sadd.s32 s3, s18  }
0xba: {  	[tilespmem:s12], [sflag:$0x1] =	stream.strided.gather [hbm4b:s18+s8], $0x0, s9, s8, $0x38;
	[tilespmem:$0x10200] =	vst v63  }
0xbb: {  	s22 =	spop (v2sf);
	(v2sf) =	vpush v0, $0xF  }
0xbc: {  	[tilespmem:s12], [sflag:$0x1] =	stream.linear.gather [hbm4b:s18+s2], $0x40, $0x38;
	[tilespmem:$0x10200] =	vst v63  }
0xbd: {  	s18 =	sand.u32 $0x1FFFFFF0, s22  }
0xbe: {  	s23 =	spop (v2sf);
	s18 =	sadd.s32 s3, s18  }
0xbf: {  	[tilespmem:s6], [sflag:$0x1] =	stream.strided.gather [hbm4b:s18+s8], $0x0, s9, s8, $0x38;
	[tilespmem:$0x10200] =	vst v63  }
0xc0: {  	s20 =	sand.u32 $0x1FFFFFF0, s23  }
0xc1: {  	[tilespmem:s6], [sflag:$0x1] =	stream.linear.gather [hbm4b:s18+s2], $0x40, $0x38;
	[tilespmem:$0x10200] =	vst v63  }
0xc2: {  	s21 =	spop (v2sf);
	s18 =	sadd.s32 s3, s20  }
0xc3: {  	[tilespmem:s13], [sflag:$0x1] =	stream.strided.gather [hbm4b:s18+s8], $0x0, s9, s8, $0x38;
	[tilespmem:$0x10200] =	vst v63  }
0xc4: {  	s22 =	sand.u32 $0x1FFFFFF0, s21  }
0xc5: {  	[tilespmem:s13], [sflag:$0x1] =	stream.linear.gather [hbm4b:s18+s2], $0x40, $0x38;
	[tilespmem:$0x10200] =	vst v63  }
0xc6: {  	s18 =	sadd.s32 s3, s22  }
0xc7: {  	[tilespmem:s14], [sflag:$0x1] =	stream.strided.gather [hbm4b:s18+s8], $0x0, s9, s8, $0x38;
	[tilespmem:$0x10200] =	vst v63  }
0xc8: {  	_ = 	snop  }
0xc9: {  	[tilespmem:s14], [sflag:$0x1] =	stream.linear.gather [hbm4b:s18+s2], $0x40, $0x38;
	[tilespmem:$0x10200] =	vst v63  }
0xca: {  	s23 =	spop (v2sf)  }
0xcb: {  	s18 =	sand.u32 $0x1FFFFFF0, s23  }
.Ltmp2:
0xcc: {  	s18 =	sadd.s32 s3, s18;
	(pc) =	sbr.rel .LBB2_2-.Ltmp2, $4  }
0xcd: {  	[tilespmem:s15], [sflag:$0x1] =	stream.strided.gather [hbm4b:s18+s8], $0x0, s9, s8, $0x38;
	[tilespmem:$0x10200] =	vst v63  }
0xce: {  	_ = 	snop  }
0xcf: {  	[tilespmem:s15], [sflag:$0x1] =	stream.linear.gather [hbm4b:s18+s2], $0x40, $0x38;
	[tilespmem:$0x10200] =	vst v63  }
0xd0: {  	s19 =	simm.s32 $0x0;
	s20 =	simm.s32 $0x0;
	s18 =	simm.s32 $0x20  }
.LBB2_4:
0xd1: {  	_ =	swait.ge [sflag:s16], $0x40  }
0xd2: {  	[sflag:s16] =	ssyncset.done $0x0  }
0xd3: {  	[sflag:s16] =	ssyncadd.s32 $0xFFFFFFC0  }
0xd4: {  	_ =	swait.ge [sflag:s16], $0x40  }
0xd5: {  	[sflag:s16] =	ssyncset.done $0x0  }
0xd6: {  	[sflag:s16] =	ssyncadd.s32 $0xFFFFFFC0  }
0xd7: {  	_ =	swait.ge [sflag:s16], $0x40  }
0xd8: {  	[sflag:s16] =	ssyncset.done $0x0  }
0xd9: {  	[sflag:s16] =	ssyncadd.s32 $0xFFFFFFC0  }
0xda: {  	_ =	swait.ge [sflag:s16], $0x40  }
0xdb: {  	[sflag:s16] =	ssyncset.done $0x0  }
0xdc: {  	[sflag:s16] =	ssyncadd.s32 $0xFFFFFFC0  }
0xdd: {  	_ =	swait.ge [sflag:s16], $0x40  }
0xde: {  	[sflag:s16] =	ssyncset.done $0x0  }
0xdf: {  	[sflag:s16] =	ssyncadd.s32 $0xFFFFFFC0  }
0xe0: {  	_ =	swait.ge [sflag:s16], $0x40  }
0xe1: {  	[sflag:s16] =	ssyncset.done $0x0  }
0xe2: {  	[sflag:s16] =	ssyncadd.s32 $0xFFFFFFC0  }
0xe3: {  	_ =	swait.ge [sflag:s16], $0x40  }
0xe4: {  	[sflag:s16] =	ssyncset.done $0x0  }
0xe5: {  	[sflag:s16] =	ssyncadd.s32 $0xFFFFFFC0  }
0xe6: {  	_ =	swait.ge [sflag:s16], $0x40  }
0xe7: {  	[sflag:s16] =	ssyncset.done $0x0  }
0xe8: {  	[sflag:s16] =	ssyncadd.s32 $0xFFFFFFC0  }
0xe9: {  	_ =	swait.ge [sflag:s16], $0x40  }
0xea: {  	[sflag:s16] =	ssyncset.done $0x0  }
0xeb: {  	[sflag:s16] =	ssyncadd.s32 $0xFFFFFFC0  }
0xec: {  	_ =	swait.ge [sflag:s16], $0x40  }
0xed: {  	[sflag:s16] =	ssyncset.done $0x0  }
0xee: {  	[sflag:s16] =	ssyncadd.s32 $0xFFFFFFC0  }
0xef: {  	_ =	swait.ge [sflag:s16], $0x40  }
0xf0: {  	[sflag:s16] =	ssyncset.done $0x0  }
0xf1: {  	[sflag:s16] =	ssyncadd.s32 $0xFFFFFFC0  }
0xf2: {  	_ =	swait.ge [sflag:s16], $0x40  }
0xf3: {  	[sflag:s16] =	ssyncset.done $0x0  }
0xf4: {  	[sflag:s16] =	ssyncadd.s32 $0xFFFFFFC0  }
0xf5: {  	_ =	swait.ge [sflag:s16], $0x40  }
0xf6: {  	[sflag:s16] =	ssyncset.done $0x0  }
0xf7: {  	[sflag:s16] =	ssyncadd.s32 $0xFFFFFFC0  }
0xf8: {  	_ =	swait.ge [sflag:s16], $0x40  }
0xf9: {  	[sflag:s16] =	ssyncset.done $0x0  }
0xfa: {  	s19 =	sadd.s32 $0x2000, s19;
	[sflag:s16] =	ssyncadd.s32 $0xFFFFFFC0  }
0xfb: {  	p0 =	sne.s32 s19, $0x40000;
	_ =	swait.ge [sflag:s16], $0x40  }
.Ltmp3:
0xfc: {  	[sflag:s16] =	ssyncset.done $0x0;
	(pc) =	sbr.rel @!p0 .LBB2_5-.Ltmp3, $4  }
0xfd: {  	[sflag:s16] =	ssyncadd.s32 $0xFFFFFFC0  }
0xfe: {  	_ =	swait.ge [sflag:s16], $0x40  }
0xff: {  	[sflag:s16] =	ssyncset.done $0x0  }
0x100: {  	s20 =	sadd.s32 $0x1, s20;
	s18 =	sadd.s32 $0x10, s18;
	[sflag:s16] =	ssyncadd.s32 $0xFFFFFFC0  }
.LBB2_2:
0x101: {  	p0 =	sgt.u32 s20, $0x1D  }
.Ltmp4:
0x102: {  	_ = 	snop;
	(pc) =	sbr.rel @p0 .LBB2_4-.Ltmp4, $1  }
0x103: {  	_ =	sdelay $0x3  }
0x104: {  	v0 =	vld [tilespmem:s18+$0x0];
	_ =	sdelay $0x4  }
0x105: {  	v0 =	vshll.u32 v0, $0x4  }
0x106: {  	(v2sf) =	vpush v0, $0x0;
	_ =	sdelay $0x5  }
0x107: {  	(v2sf) =	vpush v0, $0x1;
	_ =	sdelay $0x5  }
0x108: {  	(v2sf) =	vpush v0, $0x2;
	_ =	sdelay $0x2  }
0x109: {  	s22 =	spop (v2sf)  }
0x10a: {  	s21 =	sshra.s32 s19, $0x2;
	s22 =	sand.u32 $0x1FFFFFF0, s22  }
0x10b: {  	s23 =	sadd.s32 $0x1200, s21;
	s22 =	sadd.s32 s3, s22  }
0x10c: {  	(v2sf) =	vpush v0, $0x3;
	[tilespmem:s23], [sflag:$0x1] =	stream.strided.gather [hbm4b:s22+s8], $0x0, s9, s8, $0x38;
	[tilespmem:$0x10200] =	vst v63  }
0x10d: {  	_ = 	snop  }
0x10e: {  	[tilespmem:s23], [sflag:$0x1] =	stream.linear.gather [hbm4b:s22+s2], $0x40, $0x38;
	[tilespmem:$0x10200] =	vst v63  }
0x10f: {  	s23 =	spop (v2sf)  }
0x110: {  	s22 =	sand.u32 $0x1FFFFFF0, s23  }
0x111: {  	s23 =	sadd.s32 $0x1280, s21;
	s22 =	sadd.s32 s3, s22  }
0x112: {  	(v2sf) =	vpush v0, $0x4;
	[tilespmem:s23], [sflag:$0x1] =	stream.strided.gather [hbm4b:s22+s8], $0x0, s9, s8, $0x38;
	[tilespmem:$0x10200] =	vst v63  }
0x113: {  	_ = 	snop  }
0x114: {  	[tilespmem:s23], [sflag:$0x1] =	stream.linear.gather [hbm4b:s22+s2], $0x40, $0x38;
	[tilespmem:$0x10200] =	vst v63  }
0x115: {  	s23 =	spop (v2sf)  }
0x116: {  	s22 =	sand.u32 $0x1FFFFFF0, s23  }
0x117: {  	s23 =	sadd.s32 $0x1300, s21;
	s22 =	sadd.s32 s3, s22  }
0x118: {  	(v2sf) =	vpush v0, $0x5;
	[tilespmem:s23], [sflag:$0x1] =	stream.strided.gather [hbm4b:s22+s8], $0x0, s9, s8, $0x38;
	[tilespmem:$0x10200] =	vst v63  }
0x119: {  	_ = 	snop  }
0x11a: {  	[tilespmem:s23], [sflag:$0x1] =	stream.linear.gather [hbm4b:s22+s2], $0x40, $0x38;
	[tilespmem:$0x10200] =	vst v63  }
0x11b: {  	s23 =	spop (v2sf)  }
0x11c: {  	s22 =	sand.u32 $0x1FFFFFF0, s23  }
0x11d: {  	s23 =	sadd.s32 $0x1380, s21;
	s22 =	sadd.s32 s3, s22  }
0x11e: {  	(v2sf) =	vpush v0, $0x6;
	[tilespmem:s23], [sflag:$0x1] =	stream.strided.gather [hbm4b:s22+s8], $0x0, s9, s8, $0x38;
	[tilespmem:$0x10200] =	vst v63  }
0x11f: {  	_ = 	snop  }
0x120: {  	[tilespmem:s23], [sflag:$0x1] =	stream.linear.gather [hbm4b:s22+s2], $0x40, $0x38;
	[tilespmem:$0x10200] =	vst v63  }
0x121: {  	s23 =	spop (v2sf)  }
0x122: {  	s22 =	sand.u32 $0x1FFFFFF0, s23  }
0x123: {  	s23 =	sadd.s32 $0x1400, s21;
	s22 =	sadd.s32 s3, s22  }
0x124: {  	(v2sf) =	vpush v0, $0x7;
	[tilespmem:s23], [sflag:$0x1] =	stream.strided.gather [hbm4b:s22+s8], $0x0, s9, s8, $0x38;
	[tilespmem:$0x10200] =	vst v63  }
0x125: {  	_ = 	snop  }
0x126: {  	[tilespmem:s23], [sflag:$0x1] =	stream.linear.gather [hbm4b:s22+s2], $0x40, $0x38;
	[tilespmem:$0x10200] =	vst v63  }
0x127: {  	s23 =	spop (v2sf)  }
0x128: {  	s22 =	sand.u32 $0x1FFFFFF0, s23  }
0x129: {  	s23 =	sadd.s32 $0x1480, s21;
	s22 =	sadd.s32 s3, s22  }
0x12a: {  	(v2sf) =	vpush v0, $0x8;
	[tilespmem:s23], [sflag:$0x1] =	stream.strided.gather [hbm4b:s22+s8], $0x0, s9, s8, $0x38;
	[tilespmem:$0x10200] =	vst v63  }
0x12b: {  	_ = 	snop  }
0x12c: {  	[tilespmem:s23], [sflag:$0x1] =	stream.linear.gather [hbm4b:s22+s2], $0x40, $0x38;
	[tilespmem:$0x10200] =	vst v63  }
0x12d: {  	s23 =	spop (v2sf)  }
0x12e: {  	s22 =	sand.u32 $0x1FFFFFF0, s23  }
0x12f: {  	s23 =	sadd.s32 $0x1500, s21;
	s22 =	sadd.s32 s3, s22  }
0x130: {  	(v2sf) =	vpush v0, $0x9;
	[tilespmem:s23], [sflag:$0x1] =	stream.strided.gather [hbm4b:s22+s8], $0x0, s9, s8, $0x38;
	[tilespmem:$0x10200] =	vst v63  }
0x131: {  	_ = 	snop  }
0x132: {  	[tilespmem:s23], [sflag:$0x1] =	stream.linear.gather [hbm4b:s22+s2], $0x40, $0x38;
	[tilespmem:$0x10200] =	vst v63  }
0x133: {  	s23 =	spop (v2sf)  }
0x134: {  	s22 =	sand.u32 $0x1FFFFFF0, s23  }
0x135: {  	s23 =	sadd.s32 $0x1580, s21;
	s22 =	sadd.s32 s3, s22  }
0x136: {  	(v2sf) =	vpush v0, $0xA;
	[tilespmem:s23], [sflag:$0x1] =	stream.strided.gather [hbm4b:s22+s8], $0x0, s9, s8, $0x38;
	[tilespmem:$0x10200] =	vst v63  }
0x137: {  	_ = 	snop  }
0x138: {  	[tilespmem:s23], [sflag:$0x1] =	stream.linear.gather [hbm4b:s22+s2], $0x40, $0x38;
	[tilespmem:$0x10200] =	vst v63  }
0x139: {  	s23 =	spop (v2sf)  }
0x13a: {  	s22 =	sand.u32 $0x1FFFFFF0, s23  }
0x13b: {  	s23 =	sadd.s32 $0x1600, s21;
	s22 =	sadd.s32 s3, s22  }
0x13c: {  	(v2sf) =	vpush v0, $0xB;
	[tilespmem:s23], [sflag:$0x1] =	stream.strided.gather [hbm4b:s22+s8], $0x0, s9, s8, $0x38;
	[tilespmem:$0x10200] =	vst v63  }
0x13d: {  	_ = 	snop  }
0x13e: {  	[tilespmem:s23], [sflag:$0x1] =	stream.linear.gather [hbm4b:s22+s2], $0x40, $0x38;
	[tilespmem:$0x10200] =	vst v63  }
0x13f: {  	s23 =	spop (v2sf)  }
0x140: {  	s22 =	sand.u32 $0x1FFFFFF0, s23  }
0x141: {  	s23 =	sadd.s32 $0x1680, s21;
	s22 =	sadd.s32 s3, s22  }
0x142: {  	(v2sf) =	vpush v0, $0xC;
	[tilespmem:s23], [sflag:$0x1] =	stream.strided.gather [hbm4b:s22+s8], $0x0, s9, s8, $0x38;
	[tilespmem:$0x10200] =	vst v63  }
0x143: {  	_ = 	snop  }
0x144: {  	[tilespmem:s23], [sflag:$0x1] =	stream.linear.gather [hbm4b:s22+s2], $0x40, $0x38;
	[tilespmem:$0x10200] =	vst v63  }
0x145: {  	s23 =	spop (v2sf)  }
0x146: {  	s22 =	sand.u32 $0x1FFFFFF0, s23  }
0x147: {  	s23 =	sadd.s32 $0x1700, s21;
	s22 =	sadd.s32 s3, s22  }
0x148: {  	(v2sf) =	vpush v0, $0xD;
	[tilespmem:s23], [sflag:$0x1] =	stream.strided.gather [hbm4b:s22+s8], $0x0, s9, s8, $0x38;
	[tilespmem:$0x10200] =	vst v63  }
0x149: {  	_ = 	snop  }
0x14a: {  	[tilespmem:s23], [sflag:$0x1] =	stream.linear.gather [hbm4b:s22+s2], $0x40, $0x38;
	[tilespmem:$0x10200] =	vst v63  }
0x14b: {  	s23 =	spop (v2sf)  }
0x14c: {  	s22 =	sand.u32 $0x1FFFFFF0, s23  }
0x14d: {  	s23 =	sadd.s32 $0x1780, s21;
	s22 =	sadd.s32 s3, s22  }
0x14e: {  	(v2sf) =	vpush v0, $0xE;
	[tilespmem:s23], [sflag:$0x1] =	stream.strided.gather [hbm4b:s22+s8], $0x0, s9, s8, $0x38;
	[tilespmem:$0x10200] =	vst v63  }
0x14f: {  	_ = 	snop  }
0x150: {  	[tilespmem:s23], [sflag:$0x1] =	stream.linear.gather [hbm4b:s22+s2], $0x40, $0x38;
	[tilespmem:$0x10200] =	vst v63  }
0x151: {  	s23 =	spop (v2sf)  }
0x152: {  	s22 =	sand.u32 $0x1FFFFFF0, s23  }
0x153: {  	s23 =	sadd.s32 $0x1800, s21;
	s22 =	sadd.s32 s3, s22  }
0x154: {  	(v2sf) =	vpush v0, $0xF;
	[tilespmem:s23], [sflag:$0x1] =	stream.strided.gather [hbm4b:s22+s8], $0x0, s9, s8, $0x38;
	[tilespmem:$0x10200] =	vst v63  }
0x155: {  	_ = 	snop  }
0x156: {  	[tilespmem:s23], [sflag:$0x1] =	stream.linear.gather [hbm4b:s22+s2], $0x40, $0x38;
	[tilespmem:$0x10200] =	vst v63  }
0x157: {  	s23 =	spop (v2sf)  }
0x158: {  	s22 =	sand.u32 $0x1FFFFFF0, s23  }
0x159: {  	s23 =	sadd.s32 $0x1880, s21;
	s22 =	sadd.s32 s3, s22  }
0x15a: {  	[tilespmem:s23], [sflag:$0x1] =	stream.strided.gather [hbm4b:s22+s8], $0x0, s9, s8, $0x38;
	[tilespmem:$0x10200] =	vst v63  }
0x15b: {  	_ = 	snop  }
0x15c: {  	[tilespmem:s23], [sflag:$0x1] =	stream.linear.gather [hbm4b:s22+s2], $0x40, $0x38;
	[tilespmem:$0x10200] =	vst v63  }
0x15d: {  	s23 =	spop (v2sf)  }
0x15e: {  	s22 =	sand.u32 $0x1FFFFFF0, s23  }
0x15f: {  	s23 =	sadd.s32 $0x1900, s21;
	s22 =	sadd.s32 s3, s22  }
0x160: {  	[tilespmem:s23], [sflag:$0x1] =	stream.strided.gather [hbm4b:s22+s8], $0x0, s9, s8, $0x38;
	[tilespmem:$0x10200] =	vst v63  }
0x161: {  	_ = 	snop  }
0x162: {  	[tilespmem:s23], [sflag:$0x1] =	stream.linear.gather [hbm4b:s22+s2], $0x40, $0x38;
	[tilespmem:$0x10200] =	vst v63  }
0x163: {  	s23 =	spop (v2sf)  }
.Ltmp5:
0x164: {  	s22 =	sand.u32 $0x1FFFFFF0, s23;
	(pc) =	sbr.rel .LBB2_4-.Ltmp5, $4  }
0x165: {  	s21 =	sadd.s32 $0x1980, s21;
	s22 =	sadd.s32 s3, s22  }
0x166: {  	[tilespmem:s21], [sflag:$0x1] =	stream.strided.gather [hbm4b:s22+s8], $0x0, s9, s8, $0x38;
	[tilespmem:$0x10200] =	vst v63  }
0x167: {  	_ = 	snop  }
0x168: {  	[tilespmem:s21], [sflag:$0x1] =	stream.linear.gather [hbm4b:s22+s2], $0x40, $0x38;
	[tilespmem:$0x10200] =	vst v63  }
.LBB2_6:
0x169: {  	_ =	sfence.sel $0x180000  }
0x16a: {  	[bflag:$0x0] =	sbarrier.arrive $0xFFFF  }
0x16b: {  	_ =	strace $0x90000047  }
0x16c: {  	s0 =	stileid.u32;
	[bflag:$0x2] =	sbarrier.arrive $0xFFFF  }
0x16d: {  	p0 =	sne.s32 s0, $0x0;
	s0 =	rddreg [dreg:$0x2]  }
0x16e: {  	s0 =	sadd.s32 @!p0 $0x100000, s0  }
0x16f: {  	[sflag:s0] =	ssyncadd.tile.s32 @!p0 $0x1;
	_ =	shalt  }
.Lfunc_end2:
_tile_overlayer_lowered:
.L_overlay_start_2:
0x170: {  	(tag) =	ssettag $0x2  }
0x171: {  	s0 =	rddreg [dreg:$0x0];
	s2 =	stileid.u32  }
0x172: {  	s1 =	rddreg [dreg:$0x1];
	p0 =	sne.s32 s2, $0x0  }
0x173: {  	s3 =	rddreg [dreg:$0x2];
	[bflag:$0x3] =	sbarrier.arrive $0xFFFF;
	s2 =	simm.s32 @!p0 $0x1C02  }
0x174: {  	[timem:s3], [sflag:s2] =	dma.local @!p0 [hbm:s0], s1  }
0x175: {  	s0 =	simm.s32 @!p0 $0x2  }
0x176: {  	_ =	swait.ge @!p0 [sflag:s0], s1  }
0x177: {  	s1 =	ssub.s32 @!p0 $0x0, s1;
	[sflag:s0] =	ssyncset.done @!p0 $0x0  }
0x178: {  	[sflag:s0] =	ssyncadd.s32 @!p0 s1  }
0x179: {  	[bflag:$0x3] =	sbarrier.arrive $0xFFFF  }
0x17a: {  	_ =	shalt  }

</sc_bundles>
